<compile_context>
chip_gen: v7x
topology: tpu7x:2x2x1
jax: 0.10.2.dev20260603
libtpu: 0.0.44.dev20260713+nightly
codegen_flags: <defaults>
</compile_context>

<pallas_src>
import functools

import jax
import jax.numpy as jnp
from jax import lax
from jax.experimental import pallas as pl
from jax.experimental.pallas import tpu as pltpu
from jax.experimental.pallas import tpu_sc as plsc

_B = 16
_C = 19
_NC = 2

_R_SC = 192
_R_TC = 512 - _R_SC
_ROWS = 32
_W_ROWS = _R_SC // 2
_NCHUNK = _W_ROWS // _ROWS
_NBUF = 4

_TC_ROWS = 32


def _sc_body(tgt_hbm, out_hbm, buf0, buf1, buf2, buf3, acc_v,
             sem0, sem1, sem2, sem3):
    wid = lax.axis_index("s") * _NC + lax.axis_index("c")
    half = wid // _B
    img = wid % _B
    r0 = half * _W_ROWS

    bufs = (buf0, buf1, buf2, buf3)
    sems = (sem0, sem1, sem2, sem3)
    copies = [None] * _NBUF
    for g in range(min(_NBUF - 1, _NCHUNK)):
        copies[g] = pltpu.async_copy(
            tgt_hbm.at[img, pl.ds(r0 + g * _ROWS, _ROWS)], bufs[g], sems[g])

    accs = tuple(jnp.zeros((16,), jnp.int32) for _ in range(8))
    one = jnp.full((16,), 1, jnp.int32)
    for g in range(_NCHUNK):
        if g + _NBUF - 1 < _NCHUNK:
            copies[(g + _NBUF - 1) % _NBUF] = pltpu.async_copy(
                tgt_hbm.at[img, pl.ds(r0 + (g + _NBUF - 1) * _ROWS, _ROWS)],
                bufs[(g + _NBUF - 1) % _NBUF], sems[(g + _NBUF - 1) % _NBUF])
        copies[g % _NBUF].wait()
        buf = bufs[g % _NBUF]

        def inner(i, a, buf=buf):
            new = list(a)
            for j in range(32):
                new[j % 8] = new[j % 8] | (one << buf[i, pl.ds(j * 16, 16)])
            return tuple(new)

        accs = lax.fori_loop(0, _ROWS, inner, accs)

    acc = accs[0]
    for j in range(1, 8):
        acc = acc | accs[j]
    acc_v[...] = acc
    pltpu.sync_copy(acc_v, out_hbm.at[half, img])


def _sc_masks(tgt):
    mesh = plsc.VectorSubcoreMesh(core_axis_name="c", subcore_axis_name="s")
    f = functools.partial(
        pl.kernel,
        mesh=mesh,
        out_type=jax.ShapeDtypeStruct((2, _B, 16), jnp.int32),
        scratch_types=[
            pltpu.VMEM((_ROWS, 512), jnp.int32),
            pltpu.VMEM((_ROWS, 512), jnp.int32),
            pltpu.VMEM((_ROWS, 512), jnp.int32),
            pltpu.VMEM((_ROWS, 512), jnp.int32),
            pltpu.VMEM((16,), jnp.int32),
            pltpu.SemaphoreType.DMA,
            pltpu.SemaphoreType.DMA,
            pltpu.SemaphoreType.DMA,
            pltpu.SemaphoreType.DMA,
        ],
    )(_sc_body)
    return f(tgt)


def _fold_mask(t):
    m = lax.bitcast_convert_type((t + 127) << 23, jnp.float32).astype(jnp.int32)
    r = t.shape[1]
    while r > 8:
        m = m[:, : r // 2] | m[:, r // 2:]
        r //= 2
    c = 512
    while c > 128:
        m = m[:, :, : c // 2] | m[:, :, c // 2:]
        c //= 2
    return m


def _tc_pres_body(tgt_a, tgt_b, out_ref, m_acc):
    j = pl.program_id(0)
    m = _fold_mask(tgt_a[...]) | _fold_mask(tgt_b[...])

    @pl.when(j == 0)
    def _init():
        m_acc[...] = m

    @pl.when(j > 0)
    def _accum():
        m_acc[...] = m_acc[...] | m

    @pl.when(j == pl.num_programs(0) - 1)
    def _emit():
        mm = m_acc[...]
        cls = lax.broadcasted_iota(jnp.int32, (_B, 8, 128, _C), 3)
        bits = (mm[:, :, :, None] >> cls) & 1
        out_ref[...] = jnp.max(bits, axis=(1, 2))


_TC_STEPS = _R_TC // (2 * _TC_ROWS)


def _tc_pres(tgt):
    off_a = _R_SC // _TC_ROWS
    off_b = off_a + _TC_STEPS
    return pl.pallas_call(
        _tc_pres_body,
        grid=(_TC_STEPS,),
        in_specs=[
            pl.BlockSpec((_B, _TC_ROWS, 512), lambda j: (0, off_a + j, 0)),
            pl.BlockSpec((_B, _TC_ROWS, 512), lambda j: (0, off_b + j, 0)),
        ],
        out_specs=pl.BlockSpec((_B, _C), lambda j: (0, 0)),
        out_shape=jax.ShapeDtypeStruct((_B, _C), jnp.int32),
        scratch_shapes=[pltpu.VMEM((_B, 8, 128), jnp.int32)],
    )(tgt, tgt)


def _bce_body(pred_ref, masks_ref, tv_ref, out_ref):
    m = masks_ref[0] | masks_ref[1]
    cls = lax.broadcasted_iota(jnp.int32, (_B, 16, _C), 2)
    bits = (m[:, :, None] >> cls) & 1
    tvect = jnp.maximum(jnp.max(bits, axis=1), tv_ref[...]).astype(jnp.float32)
    x = pred_ref[...]
    p = jax.nn.sigmoid(x)
    logp = jnp.maximum(jnp.log(p), -100.0)
    log1mp = jnp.maximum(jnp.log1p(-p), -100.0)
    loss = -jnp.mean(tvect * logp + (1.0 - tvect) * log1mp)
    out_ref[...] = jnp.reshape(loss, (1, 1))


def _bce(pred, masks, tv):
    return pl.pallas_call(
        _bce_body,
        out_shape=jax.ShapeDtypeStruct((1, 1), jnp.float32),
    )(pred, masks, tv)


def kernel(pred, target):
    tgt = target.astype(jnp.int32)
    masks = _sc_masks(tgt)
    tv_tc = _tc_pres(tgt)
    return _bce(pred.astype(jnp.float32), masks, tv_tc)[0, 0]

# --- scband reference (transcript-rebuilt; emitter-appended) ---
"""Pipeline reference for scband-seloss-43533788512386 (READ-ONLY COPY).

The authoritative reference and input builder live on the scoring server;
editing this copy changes nothing except your own understanding.
"""

import jax, jax.numpy as jnp
import numpy as np

NUM_CLASSES = 19

def setup_inputs(seed: int = 0) -> dict:
    key = jax.random.key(seed)
    k1, k2 = jax.random.split(key)
    pred = jax.random.normal(k1, (16, NUM_CLASSES), dtype=jnp.float32)
    target = jax.random.randint(k2, (16, 512, 512), 0, NUM_CLASSES, dtype=jnp.int64)
    return {"pred": pred, "target": target}

def reference(pred, target):
    B, C = pred.shape
    flat = target.reshape(B, -1)
    # per-image histogram via scatter-add (torch.histc with bins=C, min=0, max=C-1
    # maps integer label k to bin k for k in [0, C-1])
    hist = jnp.zeros((B, C), dtype=jnp.float32).at[jnp.arange(B)[:, None], flat].add(1.0)
    tvect = (hist > 0).astype(jnp.float32)
    p = jax.nn.sigmoid(pred)
    # nn.BCELoss clamps log terms at -100
    logp = jnp.clip(jnp.log(p), -100.0, None)
    log1mp = jnp.clip(jnp.log1p(-p), -100.0, None)
    loss = -jnp.mean(tvect * logp + (1.0 - tvect) * log1mp)
    return loss

if __name__ == "__main__":
    import jax
    _d = setup_inputs()
    print(jax.jit(kernel)(*tuple(_d.values())))

</pallas_src>

<mosaic_0001>
#map = affine_map<(d0, d1) -> (0, 0, 0)>
module attributes {stable_mosaic.version = 14 : i64} {
  func.func @_sc_body(%arg0: i32, %arg1: i32, %arg2: memref<16x512x512xi32, #tpu.memory_space<hbm>>, %arg3: memref<2x16x16xi32, #tpu.memory_space<hbm>>, %arg4: memref<32x512xi32, #tpu.memory_space<vmem>>, %arg5: memref<32x512xi32, #tpu.memory_space<vmem>>, %arg6: memref<32x512xi32, #tpu.memory_space<vmem>>, %arg7: memref<32x512xi32, #tpu.memory_space<vmem>>, %arg8: memref<16xi32, #tpu.memory_space<vmem>>, %arg9: memref<!tpu.dma_semaphore, #tpu.memory_space<semaphore_mem>>, %arg10: memref<!tpu.dma_semaphore, #tpu.memory_space<semaphore_mem>>, %arg11: memref<!tpu.dma_semaphore, #tpu.memory_space<semaphore_mem>>, %arg12: memref<!tpu.dma_semaphore, #tpu.memory_space<semaphore_mem>>) attributes {dimension_semantics = [#tpu.dimension_semantics<core_parallel>, #tpu.dimension_semantics<subcore_parallel>], iteration_bounds = array<i64: 2, 16>, scalar_prefetch = 0 : i64, scratch_operands = 9 : i64, tpu.core_type = #tpu.core_type<sc_vector_subcore>, window_params = [{transform_indices = #map}, {transform_indices = #map}]} {
    %mul3A = arith.constant 2 : i32
    %mul3A_0 = arith.muli %arg1, %mul3A : i32
    %add3A = arith.addi %mul3A_0, %arg0 : i32
    %jit3A = arith.constant 16 : i32
    %div3A = arith.divsi %add3A, %jit3A : i32
    %sign3A = arith.constant 0 : i32
    %sign3A_1 = arith.cmpi sgt, %add3A, %sign3A : i32
    %sign3A_2 = arith.extui %sign3A_1 : i1 to i32
    %sign3A_3 = arith.constant 0 : i32
    %sign3A_4 = arith.cmpi slt, %add3A, %sign3A_3 : i32
    %sign3A_5 = arith.extui %sign3A_4 : i1 to i32
    %sign3A_6 = arith.subi %sign3A_2, %sign3A_5 : i32
    %sign3A_7 = arith.constant 0 : i32
    %sign3A_8 = arith.cmpi sgt, %jit3A, %sign3A_7 : i32
    %sign3A_9 = arith.extui %sign3A_8 : i1 to i32
    %sign3A_10 = arith.constant 0 : i32
    %sign3A_11 = arith.cmpi slt, %jit3A, %sign3A_10 : i32
    %sign3A_12 = arith.extui %sign3A_11 : i1 to i32
    %sign3A_13 = arith.subi %sign3A_9, %sign3A_12 : i32
    %ne3A = arith.cmpi ne, %sign3A_6, %sign3A_13 : i32
    %rem3A = arith.remsi %add3A, %jit3A : i32
    %ne3A_14 = arith.constant 0 : i32
    %ne3A_15 = arith.cmpi ne, %rem3A, %ne3A_14 : i32
    %and3A = arith.andi %ne3A, %ne3A_15 : i1
    %sub3A = arith.constant 1 : i32
    %sub3A_16 = arith.subi %div3A, %sub3A : i32
    %select_n3A = arith.select %and3A, %sub3A_16, %div3A : i32
    %jit3A_17 = arith.constant 16 : i32
    %eq3A = arith.constant 0 : i32
    %eq3A_18 = arith.cmpi eq, %jit3A_17, %eq3A : i32
    %jit3A_19 = arith.constant 1 : i32
    %select_n3A_20 = arith.select %eq3A_18, %jit3A_19, %jit3A_17 : i32
    %rem3A_21 = arith.remsi %add3A, %select_n3A_20 : i32
    %ne3A_22 = arith.constant 0 : i32
    %ne3A_23 = arith.cmpi ne, %rem3A_21, %ne3A_22 : i32
    %lt3A = arith.constant 0 : i32
    %lt3A_24 = arith.cmpi slt, %rem3A_21, %lt3A : i32
    %lt3A_25 = arith.constant 0 : i32
    %lt3A_26 = arith.cmpi slt, %select_n3A_20, %lt3A_25 : i32
    %ne3A_27 = arith.xori %lt3A_24, %lt3A_26 : i1
    %and3A_28 = arith.andi %ne3A_27, %ne3A_23 : i1
    %add3A_29 = arith.addi %rem3A_21, %select_n3A_20 : i32
    %select_n3A_30 = arith.select %and3A_28, %add3A_29, %rem3A_21 : i32
    %mul3A_31 = arith.constant 96 : i32
    %mul3A_32 = arith.muli %select_n3A, %mul3A_31 : i32
    %add3A_33 = arith.constant 0 : i32
    %add3A_34 = arith.addi %mul3A_32, %add3A_33 : i32
    %dma_start3A = arith.constant 0 : i32
    %dma_start3A_35 = tpu.memref_slice %arg2[%select_n3A_30, %add3A_34, %dma_start3A] : memref<16x512x512xi32, #tpu.memory_space<hbm>> -> memref<1x32x512xi32, #tpu.memory_space<hbm>>
    %dma_start3A_36 = tpu.memref_squeeze %dma_start3A_35 : memref<1x32x512xi32, #tpu.memory_space<hbm>> -> memref<32x512xi32, #tpu.memory_space<hbm>>
    %dma_start3A_37 = arith.constant 0 : i32
    %dma_start3A_38 = tpu.memref_slice %arg2[%select_n3A_30, %add3A_34, %dma_start3A_37] : memref<16x512x512xi32, #tpu.memory_space<hbm>> -> memref<1x32x512xi32, #tpu.memory_space<hbm>>
    %dma_start3A_39 = tpu.memref_squeeze %dma_start3A_38 : memref<1x32x512xi32, #tpu.memory_space<hbm>> -> memref<32x512xi32, #tpu.memory_space<hbm>>
    tpu.enqueue_dma source(%dma_start3A_39 : memref<32x512xi32, #tpu.memory_space<hbm>>) target(%arg4 : memref<32x512xi32, #tpu.memory_space<vmem>>) target_semaphore(%arg9 : memref<!tpu.dma_semaphore, #tpu.memory_space<semaphore_mem>>)
    %add3A_40 = arith.constant 32 : i32
    %add3A_41 = arith.addi %mul3A_32, %add3A_40 : i32
    %dma_start3A_42 = arith.constant 0 : i32
    %dma_start3A_43 = tpu.memref_slice %arg2[%select_n3A_30, %add3A_41, %dma_start3A_42] : memref<16x512x512xi32, #tpu.memory_space<hbm>> -> memref<1x32x512xi32, #tpu.memory_space<hbm>>
    %dma_start3A_44 = tpu.memref_squeeze %dma_start3A_43 : memref<1x32x512xi32, #tpu.memory_space<hbm>> -> memref<32x512xi32, #tpu.memory_space<hbm>>
    %dma_start3A_45 = arith.constant 0 : i32
    %dma_start3A_46 = tpu.memref_slice %arg2[%select_n3A_30, %add3A_41, %dma_start3A_45] : memref<16x512x512xi32, #tpu.memory_space<hbm>> -> memref<1x32x512xi32, #tpu.memory_space<hbm>>
    %dma_start3A_47 = tpu.memref_squeeze %dma_start3A_46 : memref<1x32x512xi32, #tpu.memory_space<hbm>> -> memref<32x512xi32, #tpu.memory_space<hbm>>
    tpu.enqueue_dma source(%dma_start3A_47 : memref<32x512xi32, #tpu.memory_space<hbm>>) target(%arg5 : memref<32x512xi32, #tpu.memory_space<vmem>>) target_semaphore(%arg10 : memref<!tpu.dma_semaphore, #tpu.memory_space<semaphore_mem>>)
    %add3A_48 = arith.constant 64 : i32
    %add3A_49 = arith.addi %mul3A_32, %add3A_48 : i32
    %dma_start3A_50 = arith.constant 0 : i32
    %dma_start3A_51 = tpu.memref_slice %arg2[%select_n3A_30, %add3A_49, %dma_start3A_50] : memref<16x512x512xi32, #tpu.memory_space<hbm>> -> memref<1x32x512xi32, #tpu.memory_space<hbm>>
    %dma_start3A_52 = tpu.memref_squeeze %dma_start3A_51 : memref<1x32x512xi32, #tpu.memory_space<hbm>> -> memref<32x512xi32, #tpu.memory_space<hbm>>
    %dma_start3A_53 = arith.constant 0 : i32
    %dma_start3A_54 = tpu.memref_slice %arg2[%select_n3A_30, %add3A_49, %dma_start3A_53] : memref<16x512x512xi32, #tpu.memory_space<hbm>> -> memref<1x32x512xi32, #tpu.memory_space<hbm>>
    %dma_start3A_55 = tpu.memref_squeeze %dma_start3A_54 : memref<1x32x512xi32, #tpu.memory_space<hbm>> -> memref<32x512xi32, #tpu.memory_space<hbm>>
    tpu.enqueue_dma source(%dma_start3A_55 : memref<32x512xi32, #tpu.memory_space<hbm>>) target(%arg6 : memref<32x512xi32, #tpu.memory_space<vmem>>) target_semaphore(%arg11 : memref<!tpu.dma_semaphore, #tpu.memory_space<semaphore_mem>>)
    %broadcast_in_dim3A = arith.constant 0 : i32
    %broadcast_in_dim3A_56 = vector.broadcast %broadcast_in_dim3A : i32 to vector<16xi32>
    %broadcast_in_dim3A_57 = arith.constant 0 : i32
    %broadcast_in_dim3A_58 = vector.broadcast %broadcast_in_dim3A_57 : i32 to vector<16xi32>
    %broadcast_in_dim3A_59 = arith.constant 0 : i32
    %broadcast_in_dim3A_60 = vector.broadcast %broadcast_in_dim3A_59 : i32 to vector<16xi32>
    %broadcast_in_dim3A_61 = arith.constant 0 : i32
    %broadcast_in_dim3A_62 = vector.broadcast %broadcast_in_dim3A_61 : i32 to vector<16xi32>
    %broadcast_in_dim3A_63 = arith.constant 0 : i32
    %broadcast_in_dim3A_64 = vector.broadcast %broadcast_in_dim3A_63 : i32 to vector<16xi32>
    %broadcast_in_dim3A_65 = arith.constant 0 : i32
    %broadcast_in_dim3A_66 = vector.broadcast %broadcast_in_dim3A_65 : i32 to vector<16xi32>
    %broadcast_in_dim3A_67 = arith.constant 0 : i32
    %broadcast_in_dim3A_68 = vector.broadcast %broadcast_in_dim3A_67 : i32 to vector<16xi32>
    %broadcast_in_dim3A_69 = arith.constant 0 : i32
    %broadcast_in_dim3A_70 = vector.broadcast %broadcast_in_dim3A_69 : i32 to vector<16xi32>
    %broadcast_in_dim3A_71 = arith.constant 1 : i32
    %broadcast_in_dim3A_72 = vector.broadcast %broadcast_in_dim3A_71 : i32 to vector<16xi32>
    %dma_wait3A = arith.constant 0 : i32
    %dma_wait3A_73 = tpu.memref_slice %arg2[%select_n3A_30, %add3A_34, %dma_wait3A] : memref<16x512x512xi32, #tpu.memory_space<hbm>> -> memref<1x32x512xi32, #tpu.memory_space<hbm>>
    %dma_wait3A_74 = tpu.memref_squeeze %dma_wait3A_73 : memref<1x32x512xi32, #tpu.memory_space<hbm>> -> memref<32x512xi32, #tpu.memory_space<hbm>>
    %dma_wait3A_75 = arith.constant 0 : i32
    %dma_wait3A_76 = tpu.memref_slice %arg2[%select_n3A_30, %add3A_34, %dma_wait3A_75] : memref<16x512x512xi32, #tpu.memory_space<hbm>> -> memref<1x32x512xi32, #tpu.memory_space<hbm>>
    %dma_wait3A_77 = tpu.memref_squeeze %dma_wait3A_76 : memref<1x32x512xi32, #tpu.memory_space<hbm>> -> memref<32x512xi32, #tpu.memory_space<hbm>>
    tpu.wait_dma2 semaphore(%arg9 : memref<!tpu.dma_semaphore, #tpu.memory_space<semaphore_mem>>) src(%dma_wait3A_77 : memref<32x512xi32, #tpu.memory_space<hbm>>) dst(%arg4 : memref<32x512xi32, #tpu.memory_space<vmem>>)
    %scan3A = arith.constant 0 : i32
    %scan3A_78 = arith.constant 32 : i32
    %scan3A_79 = arith.addi %scan3A, %scan3A_78 : i32
    %scan3A_80 = arith.constant 1 : i32
    %scan3A_81:8 = scf.for %scan3A_116 = %scan3A to %scan3A_79 step %scan3A_80 iter_args(%scan3A_117 = %broadcast_in_dim3A_56, %scan3A_118 = %broadcast_in_dim3A_58, %scan3A_119 = %broadcast_in_dim3A_60, %scan3A_120 = %broadcast_in_dim3A_62, %scan3A_121 = %broadcast_in_dim3A_64, %scan3A_122 = %broadcast_in_dim3A_66, %scan3A_123 = %broadcast_in_dim3A_68, %scan3A_124 = %broadcast_in_dim3A_70) -> (vector<16xi32>, vector<16xi32>, vector<16xi32>, vector<16xi32>, vector<16xi32>, vector<16xi32>, vector<16xi32>, vector<16xi32>)  : i32 {
      %get3A = arith.index_cast %scan3A_116 : i32 to index
      %get3A_125 = arith.constant 0 : index
      %get3A_126 = tpu.vector_load %arg4[%get3A, %get3A_125] {strides = array<i32>} : memref<32x512xi32, #tpu.memory_space<vmem>>, vector<1x16xi32>,
      %get3A_127 = vector.shape_cast %get3A_126 : vector<1x16xi32> to vector<16xi32>
      %shift_left3A = arith.shli %broadcast_in_dim3A_72, %get3A_127 : vector<16xi32>
      %or3A_128 = arith.ori %scan3A_117, %shift_left3A : vector<16xi32>
      %get3A_129 = arith.index_cast %scan3A_116 : i32 to index
      %get3A_130 = arith.constant 16 : index
      %get3A_131 = tpu.vector_load %arg4[%get3A_129, %get3A_130] {strides = array<i32>} : memref<32x512xi32, #tpu.memory_space<vmem>>, vector<1x16xi32>,
      %get3A_132 = vector.shape_cast %get3A_131 : vector<1x16xi32> to vector<16xi32>
      %shift_left3A_133 = arith.shli %broadcast_in_dim3A_72, %get3A_132 : vector<16xi32>
      %or3A_134 = arith.ori %scan3A_118, %shift_left3A_133 : vector<16xi32>
      %get3A_135 = arith.index_cast %scan3A_116 : i32 to index
      %get3A_136 = arith.constant 32 : index
      %get3A_137 = tpu.vector_load %arg4[%get3A_135, %get3A_136] {strides = array<i32>} : memref<32x512xi32, #tpu.memory_space<vmem>>, vector<1x16xi32>,
      %get3A_138 = vector.shape_cast %get3A_137 : vector<1x16xi32> to vector<16xi32>
      %shift_left3A_139 = arith.shli %broadcast_in_dim3A_72, %get3A_138 : vector<16xi32>
      %or3A_140 = arith.ori %scan3A_119, %shift_left3A_139 : vector<16xi32>
      %get3A_141 = arith.index_cast %scan3A_116 : i32 to index
      %get3A_142 = arith.constant 48 : index
      %get3A_143 = tpu.vector_load %arg4[%get3A_141, %get3A_142] {strides = array<i32>} : memref<32x512xi32, #tpu.memory_space<vmem>>, vector<1x16xi32>,
      %get3A_144 = vector.shape_cast %get3A_143 : vector<1x16xi32> to vector<16xi32>
      %shift_left3A_145 = arith.shli %broadcast_in_dim3A_72, %get3A_144 : vector<16xi32>
      %or3A_146 = arith.ori %scan3A_120, %shift_left3A_145 : vector<16xi32>
      %get3A_147 = arith.index_cast %scan3A_116 : i32 to index
      %get3A_148 = arith.constant 64 : index
      %get3A_149 = tpu.vector_load %arg4[%get3A_147, %get3A_148] {strides = array<i32>} : memref<32x512xi32, #tpu.memory_space<vmem>>, vector<1x16xi32>,
      %get3A_150 = vector.shape_cast %get3A_149 : vector<1x16xi32> to vector<16xi32>
      %shift_left3A_151 = arith.shli %broadcast_in_dim3A_72, %get3A_150 : vector<16xi32>
      %or3A_152 = arith.ori %scan3A_121, %shift_left3A_151 : vector<16xi32>
      %get3A_153 = arith.index_cast %scan3A_116 : i32 to index
      %get3A_154 = arith.constant 80 : index
      %get3A_155 = tpu.vector_load %arg4[%get3A_153, %get3A_154] {strides = array<i32>} : memref<32x512xi32, #tpu.memory_space<vmem>>, vector<1x16xi32>,
      %get3A_156 = vector.shape_cast %get3A_155 : vector<1x16xi32> to vector<16xi32>
      %shift_left3A_157 = arith.shli %broadcast_in_dim3A_72, %get3A_156 : vector<16xi32>
      %or3A_158 = arith.ori %scan3A_122, %shift_left3A_157 : vector<16xi32>
      %get3A_159 = arith.index_cast %scan3A_116 : i32 to index
      %get3A_160 = arith.constant 96 : index
      %get3A_161 = tpu.vector_load %arg4[%get3A_159, %get3A_160] {strides = array<i32>} : memref<32x512xi32, #tpu.memory_space<vmem>>, vector<1x16xi32>,
      %get3A_162 = vector.shape_cast %get3A_161 : vector<1x16xi32> to vector<16xi32>
      %shift_left3A_163 = arith.shli %broadcast_in_dim3A_72, %get3A_162 : vector<16xi32>
      %or3A_164 = arith.ori %scan3A_123, %shift_left3A_163 : vector<16xi32>
      %get3A_165 = arith.index_cast %scan3A_116 : i32 to index
      %get3A_166 = arith.constant 112 : index
      %get3A_167 = tpu.vector_load %arg4[%get3A_165, %get3A_166] {strides = array<i32>} : memref<32x512xi32, #tpu.memory_space<vmem>>, vector<1x16xi32>,
      %get3A_168 = vector.shape_cast %get3A_167 : vector<1x16xi32> to vector<16xi32>
      %shift_left3A_169 = arith.shli %broadcast_in_dim3A_72, %get3A_168 : vector<16xi32>
      %or3A_170 = arith.ori %scan3A_124, %shift_left3A_169 : vector<16xi32>
      %get3A_171 = arith.index_cast %scan3A_116 : i32 to index
      %get3A_172 = arith.constant 128 : index
      %get3A_173 = tpu.vector_load %arg4[%get3A_171, %get3A_172] {strides = array<i32>} : memref<32x512xi32, #tpu.memory_space<vmem>>, vector<1x16xi32>,
      %get3A_174 = vector.shape_cast %get3A_173 : vector<1x16xi32> to vector<16xi32>
      %shift_left3A_175 = arith.shli %broadcast_in_dim3A_72, %get3A_174 : vector<16xi32>
      %or3A_176 = arith.ori %or3A_128, %shift_left3A_175 : vector<16xi32>
      %get3A_177 = arith.index_cast %scan3A_116 : i32 to index
      %get3A_178 = arith.constant 144 : index
      %get3A_179 = tpu.vector_load %arg4[%get3A_177, %get3A_178] {strides = array<i32>} : memref<32x512xi32, #tpu.memory_space<vmem>>, vector<1x16xi32>,
      %get3A_180 = vector.shape_cast %get3A_179 : vector<1x16xi32> to vector<16xi32>
      %shift_left3A_181 = arith.shli %broadcast_in_dim3A_72, %get3A_180 : vector<16xi32>
      %or3A_182 = arith.ori %or3A_134, %shift_left3A_181 : vector<16xi32>
      %get3A_183 = arith.index_cast %scan3A_116 : i32 to index
      %get3A_184 = arith.constant 160 : index
      %get3A_185 = tpu.vector_load %arg4[%get3A_183, %get3A_184] {strides = array<i32>} : memref<32x512xi32, #tpu.memory_space<vmem>>, vector<1x16xi32>,
      %get3A_186 = vector.shape_cast %get3A_185 : vector<1x16xi32> to vector<16xi32>
      %shift_left3A_187 = arith.shli %broadcast_in_dim3A_72, %get3A_186 : vector<16xi32>
      %or3A_188 = arith.ori %or3A_140, %shift_left3A_187 : vector<16xi32>
      %get3A_189 = arith.index_cast %scan3A_116 : i32 to index
      %get3A_190 = arith.constant 176 : index
      %get3A_191 = tpu.vector_load %arg4[%get3A_189, %get3A_190] {strides = array<i32>} : memref<32x512xi32, #tpu.memory_space<vmem>>, vector<1x16xi32>,
      %get3A_192 = vector.shape_cast %get3A_191 : vector<1x16xi32> to vector<16xi32>
      %shift_left3A_193 = arith.shli %broadcast_in_dim3A_72, %get3A_192 : vector<16xi32>
      %or3A_194 = arith.ori %or3A_146, %shift_left3A_193 : vector<16xi32>
      %get3A_195 = arith.index_cast %scan3A_116 : i32 to index
      %get3A_196 = arith.constant 192 : index
      %get3A_197 = tpu.vector_load %arg4[%get3A_195, %get3A_196] {strides = array<i32>} : memref<32x512xi32, #tpu.memory_space<vmem>>, vector<1x16xi32>,
      %get3A_198 = vector.shape_cast %get3A_197 : vector<1x16xi32> to vector<16xi32>
      %shift_left3A_199 = arith.shli %broadcast_in_dim3A_72, %get3A_198 : vector<16xi32>
      %or3A_200 = arith.ori %or3A_152, %shift_left3A_199 : vector<16xi32>
      %get3A_201 = arith.index_cast %scan3A_116 : i32 to index
      %get3A_202 = arith.constant 208 : index
      %get3A_203 = tpu.vector_load %arg4[%get3A_201, %get3A_202] {strides = array<i32>} : memref<32x512xi32, #tpu.memory_space<vmem>>, vector<1x16xi32>,
      %get3A_204 = vector.shape_cast %get3A_203 : vector<1x16xi32> to vector<16xi32>
      %shift_left3A_205 = arith.shli %broadcast_in_dim3A_72, %get3A_204 : vector<16xi32>
      %or3A_206 = arith.ori %or3A_158, %shift_left3A_205 : vector<16xi32>
      %get3A_207 = arith.index_cast %scan3A_116 : i32 to index
      %get3A_208 = arith.constant 224 : index
      %get3A_209 = tpu.vector_load %arg4[%get3A_207, %get3A_208] {strides = array<i32>} : memref<32x512xi32, #tpu.memory_space<vmem>>, vector<1x16xi32>,
      %get3A_210 = vector.shape_cast %get3A_209 : vector<1x16xi32> to vector<16xi32>
      %shift_left3A_211 = arith.shli %broadcast_in_dim3A_72, %get3A_210 : vector<16xi32>
      %or3A_212 = arith.ori %or3A_164, %shift_left3A_211 : vector<16xi32>
      %get3A_213 = arith.index_cast %scan3A_116 : i32 to index
      %get3A_214 = arith.constant 240 : index
      %get3A_215 = tpu.vector_load %arg4[%get3A_213, %get3A_214] {strides = array<i32>} : memref<32x512xi32, #tpu.memory_space<vmem>>, vector<1x16xi32>,
      %get3A_216 = vector.shape_cast %get3A_215 : vector<1x16xi32> to vector<16xi32>
      %shift_left3A_217 = arith.shli %broadcast_in_dim3A_72, %get3A_216 : vector<16xi32>
      %or3A_218 = arith.ori %or3A_170, %shift_left3A_217 : vector<16xi32>
      %get3A_219 = arith.index_cast %scan3A_116 : i32 to index
      %get3A_220 = arith.constant 256 : index
      %get3A_221 = tpu.vector_load %arg4[%get3A_219, %get3A_220] {strides = array<i32>} : memref<32x512xi32, #tpu.memory_space<vmem>>, vector<1x16xi32>,
      %get3A_222 = vector.shape_cast %get3A_221 : vector<1x16xi32> to vector<16xi32>
      %shift_left3A_223 = arith.shli %broadcast_in_dim3A_72, %get3A_222 : vector<16xi32>
      %or3A_224 = arith.ori %or3A_176, %shift_left3A_223 : vector<16xi32>
      %get3A_225 = arith.index_cast %scan3A_116 : i32 to index
      %get3A_226 = arith.constant 272 : index
      %get3A_227 = tpu.vector_load %arg4[%get3A_225, %get3A_226] {strides = array<i32>} : memref<32x512xi32, #tpu.memory_space<vmem>>, vector<1x16xi32>,
      %get3A_228 = vector.shape_cast %get3A_227 : vector<1x16xi32> to vector<16xi32>
      %shift_left3A_229 = arith.shli %broadcast_in_dim3A_72, %get3A_228 : vector<16xi32>
      %or3A_230 = arith.ori %or3A_182, %shift_left3A_229 : vector<16xi32>
      %get3A_231 = arith.index_cast %scan3A_116 : i32 to index
      %get3A_232 = arith.constant 288 : index
      %get3A_233 = tpu.vector_load %arg4[%get3A_231, %get3A_232] {strides = array<i32>} : memref<32x512xi32, #tpu.memory_space<vmem>>, vector<1x16xi32>,
      %get3A_234 = vector.shape_cast %get3A_233 : vector<1x16xi32> to vector<16xi32>
      %shift_left3A_235 = arith.shli %broadcast_in_dim3A_72, %get3A_234 : vector<16xi32>
      %or3A_236 = arith.ori %or3A_188, %shift_left3A_235 : vector<16xi32>
      %get3A_237 = arith.index_cast %scan3A_116 : i32 to index
      %get3A_238 = arith.constant 304 : index
      %get3A_239 = tpu.vector_load %arg4[%get3A_237, %get3A_238] {strides = array<i32>} : memref<32x512xi32, #tpu.memory_space<vmem>>, vector<1x16xi32>,
      %get3A_240 = vector.shape_cast %get3A_239 : vector<1x16xi32> to vector<16xi32>
      %shift_left3A_241 = arith.shli %broadcast_in_dim3A_72, %get3A_240 : vector<16xi32>
      %or3A_242 = arith.ori %or3A_194, %shift_left3A_241 : vector<16xi32>
      %get3A_243 = arith.index_cast %scan3A_116 : i32 to index
      %get3A_244 = arith.constant 320 : index
      %get3A_245 = tpu.vector_load %arg4[%get3A_243, %get3A_244] {strides = array<i32>} : memref<32x512xi32, #tpu.memory_space<vmem>>, vector<1x16xi32>,
      %get3A_246 = vector.shape_cast %get3A_245 : vector<1x16xi32> to vector<16xi32>
      %shift_left3A_247 = arith.shli %broadcast_in_dim3A_72, %get3A_246 : vector<16xi32>
      %or3A_248 = arith.ori %or3A_200, %shift_left3A_247 : vector<16xi32>
      %get3A_249 = arith.index_cast %scan3A_116 : i32 to index
      %get3A_250 = arith.constant 336 : index
      %get3A_251 = tpu.vector_load %arg4[%get3A_249, %get3A_250] {strides = array<i32>} : memref<32x512xi32, #tpu.memory_space<vmem>>, vector<1x16xi32>,
      %get3A_252 = vector.shape_cast %get3A_251 : vector<1x16xi32> to vector<16xi32>
      %shift_left3A_253 = arith.shli %broadcast_in_dim3A_72, %get3A_252 : vector<16xi32>
      %or3A_254 = arith.ori %or3A_206, %shift_left3A_253 : vector<16xi32>
      %get3A_255 = arith.index_cast %scan3A_116 : i32 to index
      %get3A_256 = arith.constant 352 : index
      %get3A_257 = tpu.vector_load %arg4[%get3A_255, %get3A_256] {strides = array<i32>} : memref<32x512xi32, #tpu.memory_space<vmem>>, vector<1x16xi32>,
      %get3A_258 = vector.shape_cast %get3A_257 : vector<1x16xi32> to vector<16xi32>
      %shift_left3A_259 = arith.shli %broadcast_in_dim3A_72, %get3A_258 : vector<16xi32>
      %or3A_260 = arith.ori %or3A_212, %shift_left3A_259 : vector<16xi32>
      %get3A_261 = arith.index_cast %scan3A_116 : i32 to index
      %get3A_262 = arith.constant 368 : index
      %get3A_263 = tpu.vector_load %arg4[%get3A_261, %get3A_262] {strides = array<i32>} : memref<32x512xi32, #tpu.memory_space<vmem>>, vector<1x16xi32>,
      %get3A_264 = vector.shape_cast %get3A_263 : vector<1x16xi32> to vector<16xi32>
      %shift_left3A_265 = arith.shli %broadcast_in_dim3A_72, %get3A_264 : vector<16xi32>
      %or3A_266 = arith.ori %or3A_218, %shift_left3A_265 : vector<16xi32>
      %get3A_267 = arith.index_cast %scan3A_116 : i32 to index
      %get3A_268 = arith.constant 384 : index
      %get3A_269 = tpu.vector_load %arg4[%get3A_267, %get3A_268] {strides = array<i32>} : memref<32x512xi32, #tpu.memory_space<vmem>>, vector<1x16xi32>,
      %get3A_270 = vector.shape_cast %get3A_269 : vector<1x16xi32> to vector<16xi32>
      %shift_left3A_271 = arith.shli %broadcast_in_dim3A_72, %get3A_270 : vector<16xi32>
      %or3A_272 = arith.ori %or3A_224, %shift_left3A_271 : vector<16xi32>
      %get3A_273 = arith.index_cast %scan3A_116 : i32 to index
      %get3A_274 = arith.constant 400 : index
      %get3A_275 = tpu.vector_load %arg4[%get3A_273, %get3A_274] {strides = array<i32>} : memref<32x512xi32, #tpu.memory_space<vmem>>, vector<1x16xi32>,
      %get3A_276 = vector.shape_cast %get3A_275 : vector<1x16xi32> to vector<16xi32>
      %shift_left3A_277 = arith.shli %broadcast_in_dim3A_72, %get3A_276 : vector<16xi32>
      %or3A_278 = arith.ori %or3A_230, %shift_left3A_277 : vector<16xi32>
      %get3A_279 = arith.index_cast %scan3A_116 : i32 to index
      %get3A_280 = arith.constant 416 : index
      %get3A_281 = tpu.vector_load %arg4[%get3A_279, %get3A_280] {strides = array<i32>} : memref<32x512xi32, #tpu.memory_space<vmem>>, vector<1x16xi32>,
      %get3A_282 = vector.shape_cast %get3A_281 : vector<1x16xi32> to vector<16xi32>
      %shift_left3A_283 = arith.shli %broadcast_in_dim3A_72, %get3A_282 : vector<16xi32>
      %or3A_284 = arith.ori %or3A_236, %shift_left3A_283 : vector<16xi32>
      %get3A_285 = arith.index_cast %scan3A_116 : i32 to index
      %get3A_286 = arith.constant 432 : index
      %get3A_287 = tpu.vector_load %arg4[%get3A_285, %get3A_286] {strides = array<i32>} : memref<32x512xi32, #tpu.memory_space<vmem>>, vector<1x16xi32>,
      %get3A_288 = vector.shape_cast %get3A_287 : vector<1x16xi32> to vector<16xi32>
      %shift_left3A_289 = arith.shli %broadcast_in_dim3A_72, %get3A_288 : vector<16xi32>
      %or3A_290 = arith.ori %or3A_242, %shift_left3A_289 : vector<16xi32>
      %get3A_291 = arith.index_cast %scan3A_116 : i32 to index
      %get3A_292 = arith.constant 448 : index
      %get3A_293 = tpu.vector_load %arg4[%get3A_291, %get3A_292] {strides = array<i32>} : memref<32x512xi32, #tpu.memory_space<vmem>>, vector<1x16xi32>,
      %get3A_294 = vector.shape_cast %get3A_293 : vector<1x16xi32> to vector<16xi32>
      %shift_left3A_295 = arith.shli %broadcast_in_dim3A_72, %get3A_294 : vector<16xi32>
      %or3A_296 = arith.ori %or3A_248, %shift_left3A_295 : vector<16xi32>
      %get3A_297 = arith.index_cast %scan3A_116 : i32 to index
      %get3A_298 = arith.constant 464 : index
      %get3A_299 = tpu.vector_load %arg4[%get3A_297, %get3A_298] {strides = array<i32>} : memref<32x512xi32, #tpu.memory_space<vmem>>, vector<1x16xi32>,
      %get3A_300 = vector.shape_cast %get3A_299 : vector<1x16xi32> to vector<16xi32>
      %shift_left3A_301 = arith.shli %broadcast_in_dim3A_72, %get3A_300 : vector<16xi32>
      %or3A_302 = arith.ori %or3A_254, %shift_left3A_301 : vector<16xi32>
      %get3A_303 = arith.index_cast %scan3A_116 : i32 to index
      %get3A_304 = arith.constant 480 : index
      %get3A_305 = tpu.vector_load %arg4[%get3A_303, %get3A_304] {strides = array<i32>} : memref<32x512xi32, #tpu.memory_space<vmem>>, vector<1x16xi32>,
      %get3A_306 = vector.shape_cast %get3A_305 : vector<1x16xi32> to vector<16xi32>
      %shift_left3A_307 = arith.shli %broadcast_in_dim3A_72, %get3A_306 : vector<16xi32>
      %or3A_308 = arith.ori %or3A_260, %shift_left3A_307 : vector<16xi32>
      %get3A_309 = arith.index_cast %scan3A_116 : i32 to index
      %get3A_310 = arith.constant 496 : index
      %get3A_311 = tpu.vector_load %arg4[%get3A_309, %get3A_310] {strides = array<i32>} : memref<32x512xi32, #tpu.memory_space<vmem>>, vector<1x16xi32>,
      %get3A_312 = vector.shape_cast %get3A_311 : vector<1x16xi32> to vector<16xi32>
      %shift_left3A_313 = arith.shli %broadcast_in_dim3A_72, %get3A_312 : vector<16xi32>
      %or3A_314 = arith.ori %or3A_266, %shift_left3A_313 : vector<16xi32>
      scf.yield %or3A_272, %or3A_278, %or3A_284, %or3A_290, %or3A_296, %or3A_302, %or3A_308, %or3A_314 : vector<16xi32>, vector<16xi32>, vector<16xi32>, vector<16xi32>, vector<16xi32>, vector<16xi32>, vector<16xi32>, vector<16xi32>
    }
    %scan3A_82 = arith.constant 32 : i32
    %dma_wait3A_83 = arith.constant 0 : i32
    %dma_wait3A_84 = tpu.memref_slice %arg2[%select_n3A_30, %add3A_41, %dma_wait3A_83] : memref<16x512x512xi32, #tpu.memory_space<hbm>> -> memref<1x32x512xi32, #tpu.memory_space<hbm>>
    %dma_wait3A_85 = tpu.memref_squeeze %dma_wait3A_84 : memref<1x32x512xi32, #tpu.memory_space<hbm>> -> memref<32x512xi32, #tpu.memory_space<hbm>>
    %dma_wait3A_86 = arith.constant 0 : i32
    %dma_wait3A_87 = tpu.memref_slice %arg2[%select_n3A_30, %add3A_41, %dma_wait3A_86] : memref<16x512x512xi32, #tpu.memory_space<hbm>> -> memref<1x32x512xi32, #tpu.memory_space<hbm>>
    %dma_wait3A_88 = tpu.memref_squeeze %dma_wait3A_87 : memref<1x32x512xi32, #tpu.memory_space<hbm>> -> memref<32x512xi32, #tpu.memory_space<hbm>>
    tpu.wait_dma2 semaphore(%arg10 : memref<!tpu.dma_semaphore, #tpu.memory_space<semaphore_mem>>) src(%dma_wait3A_88 : memref<32x512xi32, #tpu.memory_space<hbm>>) dst(%arg5 : memref<32x512xi32, #tpu.memory_space<vmem>>)
    %scan3A_89 = arith.constant 0 : i32
    %scan3A_90 = arith.constant 32 : i32
    %scan3A_91 = arith.addi %scan3A_89, %scan3A_90 : i32
    %scan3A_92 = arith.constant 1 : i32
    %scan3A_93:8 = scf.for %scan3A_116 = %scan3A_89 to %scan3A_91 step %scan3A_92 iter_args(%scan3A_117 = %scan3A_81#0, %scan3A_118 = %scan3A_81#1, %scan3A_119 = %scan3A_81#2, %scan3A_120 = %scan3A_81#3, %scan3A_121 = %scan3A_81#4, %scan3A_122 = %scan3A_81#5, %scan3A_123 = %scan3A_81#6, %scan3A_124 = %scan3A_81#7) -> (vector<16xi32>, vector<16xi32>, vector<16xi32>, vector<16xi32>, vector<16xi32>, vector<16xi32>, vector<16xi32>, vector<16xi32>)  : i32 {
      %get3A = arith.index_cast %scan3A_116 : i32 to index
      %get3A_125 = arith.constant 0 : index
      %get3A_126 = tpu.vector_load %arg5[%get3A, %get3A_125] {strides = array<i32>} : memref<32x512xi32, #tpu.memory_space<vmem>>, vector<1x16xi32>,
      %get3A_127 = vector.shape_cast %get3A_126 : vector<1x16xi32> to vector<16xi32>
      %shift_left3A = arith.shli %broadcast_in_dim3A_72, %get3A_127 : vector<16xi32>
      %or3A_128 = arith.ori %scan3A_117, %shift_left3A : vector<16xi32>
      %get3A_129 = arith.index_cast %scan3A_116 : i32 to index
      %get3A_130 = arith.constant 16 : index
      %get3A_131 = tpu.vector_load %arg5[%get3A_129, %get3A_130] {strides = array<i32>} : memref<32x512xi32, #tpu.memory_space<vmem>>, vector<1x16xi32>,
      %get3A_132 = vector.shape_cast %get3A_131 : vector<1x16xi32> to vector<16xi32>
      %shift_left3A_133 = arith.shli %broadcast_in_dim3A_72, %get3A_132 : vector<16xi32>
      %or3A_134 = arith.ori %scan3A_118, %shift_left3A_133 : vector<16xi32>
      %get3A_135 = arith.index_cast %scan3A_116 : i32 to index
      %get3A_136 = arith.constant 32 : index
      %get3A_137 = tpu.vector_load %arg5[%get3A_135, %get3A_136] {strides = array<i32>} : memref<32x512xi32, #tpu.memory_space<vmem>>, vector<1x16xi32>,
      %get3A_138 = vector.shape_cast %get3A_137 : vector<1x16xi32> to vector<16xi32>
      %shift_left3A_139 = arith.shli %broadcast_in_dim3A_72, %get3A_138 : vector<16xi32>
      %or3A_140 = arith.ori %scan3A_119, %shift_left3A_139 : vector<16xi32>
      %get3A_141 = arith.index_cast %scan3A_116 : i32 to index
      %get3A_142 = arith.constant 48 : index
      %get3A_143 = tpu.vector_load %arg5[%get3A_141, %get3A_142] {strides = array<i32>} : memref<32x512xi32, #tpu.memory_space<vmem>>, vector<1x16xi32>,
      %get3A_144 = vector.shape_cast %get3A_143 : vector<1x16xi32> to vector<16xi32>
      %shift_left3A_145 = arith.shli %broadcast_in_dim3A_72, %get3A_144 : vector<16xi32>
      %or3A_146 = arith.ori %scan3A_120, %shift_left3A_145 : vector<16xi32>
      %get3A_147 = arith.index_cast %scan3A_116 : i32 to index
      %get3A_148 = arith.constant 64 : index
      %get3A_149 = tpu.vector_load %arg5[%get3A_147, %get3A_148] {strides = array<i32>} : memref<32x512xi32, #tpu.memory_space<vmem>>, vector<1x16xi32>,
      %get3A_150 = vector.shape_cast %get3A_149 : vector<1x16xi32> to vector<16xi32>
      %shift_left3A_151 = arith.shli %broadcast_in_dim3A_72, %get3A_150 : vector<16xi32>
      %or3A_152 = arith.ori %scan3A_121, %shift_left3A_151 : vector<16xi32>
      %get3A_153 = arith.index_cast %scan3A_116 : i32 to index
      %get3A_154 = arith.constant 80 : index
      %get3A_155 = tpu.vector_load %arg5[%get3A_153, %get3A_154] {strides = array<i32>} : memref<32x512xi32, #tpu.memory_space<vmem>>, vector<1x16xi32>,
      %get3A_156 = vector.shape_cast %get3A_155 : vector<1x16xi32> to vector<16xi32>
      %shift_left3A_157 = arith.shli %broadcast_in_dim3A_72, %get3A_156 : vector<16xi32>
      %or3A_158 = arith.ori %scan3A_122, %shift_left3A_157 : vector<16xi32>
      %get3A_159 = arith.index_cast %scan3A_116 : i32 to index
      %get3A_160 = arith.constant 96 : index
      %get3A_161 = tpu.vector_load %arg5[%get3A_159, %get3A_160] {strides = array<i32>} : memref<32x512xi32, #tpu.memory_space<vmem>>, vector<1x16xi32>,
      %get3A_162 = vector.shape_cast %get3A_161 : vector<1x16xi32> to vector<16xi32>
      %shift_left3A_163 = arith.shli %broadcast_in_dim3A_72, %get3A_162 : vector<16xi32>
      %or3A_164 = arith.ori %scan3A_123, %shift_left3A_163 : vector<16xi32>
      %get3A_165 = arith.index_cast %scan3A_116 : i32 to index
      %get3A_166 = arith.constant 112 : index
      %get3A_167 = tpu.vector_load %arg5[%get3A_165, %get3A_166] {strides = array<i32>} : memref<32x512xi32, #tpu.memory_space<vmem>>, vector<1x16xi32>,
      %get3A_168 = vector.shape_cast %get3A_167 : vector<1x16xi32> to vector<16xi32>
      %shift_left3A_169 = arith.shli %broadcast_in_dim3A_72, %get3A_168 : vector<16xi32>
      %or3A_170 = arith.ori %scan3A_124, %shift_left3A_169 : vector<16xi32>
      %get3A_171 = arith.index_cast %scan3A_116 : i32 to index
      %get3A_172 = arith.constant 128 : index
      %get3A_173 = tpu.vector_load %arg5[%get3A_171, %get3A_172] {strides = array<i32>} : memref<32x512xi32, #tpu.memory_space<vmem>>, vector<1x16xi32>,
      %get3A_174 = vector.shape_cast %get3A_173 : vector<1x16xi32> to vector<16xi32>
      %shift_left3A_175 = arith.shli %broadcast_in_dim3A_72, %get3A_174 : vector<16xi32>
      %or3A_176 = arith.ori %or3A_128, %shift_left3A_175 : vector<16xi32>
      %get3A_177 = arith.index_cast %scan3A_116 : i32 to index
      %get3A_178 = arith.constant 144 : index
      %get3A_179 = tpu.vector_load %arg5[%get3A_177, %get3A_178] {strides = array<i32>} : memref<32x512xi32, #tpu.memory_space<vmem>>, vector<1x16xi32>,
      %get3A_180 = vector.shape_cast %get3A_179 : vector<1x16xi32> to vector<16xi32>
      %shift_left3A_181 = arith.shli %broadcast_in_dim3A_72, %get3A_180 : vector<16xi32>
      %or3A_182 = arith.ori %or3A_134, %shift_left3A_181 : vector<16xi32>
      %get3A_183 = arith.index_cast %scan3A_116 : i32 to index
      %get3A_184 = arith.constant 160 : index
      %get3A_185 = tpu.vector_load %arg5[%get3A_183, %get3A_184] {strides = array<i32>} : memref<32x512xi32, #tpu.memory_space<vmem>>, vector<1x16xi32>,
      %get3A_186 = vector.shape_cast %get3A_185 : vector<1x16xi32> to vector<16xi32>
      %shift_left3A_187 = arith.shli %broadcast_in_dim3A_72, %get3A_186 : vector<16xi32>
      %or3A_188 = arith.ori %or3A_140, %shift_left3A_187 : vector<16xi32>
      %get3A_189 = arith.index_cast %scan3A_116 : i32 to index
      %get3A_190 = arith.constant 176 : index
      %get3A_191 = tpu.vector_load %arg5[%get3A_189, %get3A_190] {strides = array<i32>} : memref<32x512xi32, #tpu.memory_space<vmem>>, vector<1x16xi32>,
      %get3A_192 = vector.shape_cast %get3A_191 : vector<1x16xi32> to vector<16xi32>
      %shift_left3A_193 = arith.shli %broadcast_in_dim3A_72, %get3A_192 : vector<16xi32>
      %or3A_194 = arith.ori %or3A_146, %shift_left3A_193 : vector<16xi32>
      %get3A_195 = arith.index_cast %scan3A_116 : i32 to index
      %get3A_196 = arith.constant 192 : index
      %get3A_197 = tpu.vector_load %arg5[%get3A_195, %get3A_196] {strides = array<i32>} : memref<32x512xi32, #tpu.memory_space<vmem>>, vector<1x16xi32>,
      %get3A_198 = vector.shape_cast %get3A_197 : vector<1x16xi32> to vector<16xi32>
      %shift_left3A_199 = arith.shli %broadcast_in_dim3A_72, %get3A_198 : vector<16xi32>
      %or3A_200 = arith.ori %or3A_152, %shift_left3A_199 : vector<16xi32>
      %get3A_201 = arith.index_cast %scan3A_116 : i32 to index
      %get3A_202 = arith.constant 208 : index
      %get3A_203 = tpu.vector_load %arg5[%get3A_201, %get3A_202] {strides = array<i32>} : memref<32x512xi32, #tpu.memory_space<vmem>>, vector<1x16xi32>,
      %get3A_204 = vector.shape_cast %get3A_203 : vector<1x16xi32> to vector<16xi32>
      %shift_left3A_205 = arith.shli %broadcast_in_dim3A_72, %get3A_204 : vector<16xi32>
      %or3A_206 = arith.ori %or3A_158, %shift_left3A_205 : vector<16xi32>
      %get3A_207 = arith.index_cast %scan3A_116 : i32 to index
      %get3A_208 = arith.constant 224 : index
      %get3A_209 = tpu.vector_load %arg5[%get3A_207, %get3A_208] {strides = array<i32>} : memref<32x512xi32, #tpu.memory_space<vmem>>, vector<1x16xi32>,
      %get3A_210 = vector.shape_cast %get3A_209 : vector<1x16xi32> to vector<16xi32>
      %shift_left3A_211 = arith.shli %broadcast_in_dim3A_72, %get3A_210 : vector<16xi32>
      %or3A_212 = arith.ori %or3A_164, %shift_left3A_211 : vector<16xi32>
      %get3A_213 = arith.index_cast %scan3A_116 : i32 to index
      %get3A_214 = arith.constant 240 : index
      %get3A_215 = tpu.vector_load %arg5[%get3A_213, %get3A_214] {strides = array<i32>} : memref<32x512xi32, #tpu.memory_space<vmem>>, vector<1x16xi32>,
      %get3A_216 = vector.shape_cast %get3A_215 : vector<1x16xi32> to vector<16xi32>
      %shift_left3A_217 = arith.shli %broadcast_in_dim3A_72, %get3A_216 : vector<16xi32>
      %or3A_218 = arith.ori %or3A_170, %shift_left3A_217 : vector<16xi32>
      %get3A_219 = arith.index_cast %scan3A_116 : i32 to index
      %get3A_220 = arith.constant 256 : index
      %get3A_221 = tpu.vector_load %arg5[%get3A_219, %get3A_220] {strides = array<i32>} : memref<32x512xi32, #tpu.memory_space<vmem>>, vector<1x16xi32>,
      %get3A_222 = vector.shape_cast %get3A_221 : vector<1x16xi32> to vector<16xi32>
      %shift_left3A_223 = arith.shli %broadcast_in_dim3A_72, %get3A_222 : vector<16xi32>
      %or3A_224 = arith.ori %or3A_176, %shift_left3A_223 : vector<16xi32>
      %get3A_225 = arith.index_cast %scan3A_116 : i32 to index
      %get3A_226 = arith.constant 272 : index
      %get3A_227 = tpu.vector_load %arg5[%get3A_225, %get3A_226] {strides = array<i32>} : memref<32x512xi32, #tpu.memory_space<vmem>>, vector<1x16xi32>,
      %get3A_228 = vector.shape_cast %get3A_227 : vector<1x16xi32> to vector<16xi32>
      %shift_left3A_229 = arith.shli %broadcast_in_dim3A_72, %get3A_228 : vector<16xi32>
      %or3A_230 = arith.ori %or3A_182, %shift_left3A_229 : vector<16xi32>
      %get3A_231 = arith.index_cast %scan3A_116 : i32 to index
      %get3A_232 = arith.constant 288 : index
      %get3A_233 = tpu.vector_load %arg5[%get3A_231, %get3A_232] {strides = array<i32>} : memref<32x512xi32, #tpu.memory_space<vmem>>, vector<1x16xi32>,
      %get3A_234 = vector.shape_cast %get3A_233 : vector<1x16xi32> to vector<16xi32>
      %shift_left3A_235 = arith.shli %broadcast_in_dim3A_72, %get3A_234 : vector<16xi32>
      %or3A_236 = arith.ori %or3A_188, %shift_left3A_235 : vector<16xi32>
      %get3A_237 = arith.index_cast %scan3A_116 : i32 to index
      %get3A_238 = arith.constant 304 : index
      %get3A_239 = tpu.vector_load %arg5[%get3A_237, %get3A_238] {strides = array<i32>} : memref<32x512xi32, #tpu.memory_space<vmem>>, vector<1x16xi32>,
      %get3A_240 = vector.shape_cast %get3A_239 : vector<1x16xi32> to vector<16xi32>
      %shift_left3A_241 = arith.shli %broadcast_in_dim3A_72, %get3A_240 : vector<16xi32>
      %or3A_242 = arith.ori %or3A_194, %shift_left3A_241 : vector<16xi32>
      %get3A_243 = arith.index_cast %scan3A_116 : i32 to index
      %get3A_244 = arith.constant 320 : index
      %get3A_245 = tpu.vector_load %arg5[%get3A_243, %get3A_244] {strides = array<i32>} : memref<32x512xi32, #tpu.memory_space<vmem>>, vector<1x16xi32>,
      %get3A_246 = vector.shape_cast %get3A_245 : vector<1x16xi32> to vector<16xi32>
      %shift_left3A_247 = arith.shli %broadcast_in_dim3A_72, %get3A_246 : vector<16xi32>
      %or3A_248 = arith.ori %or3A_200, %shift_left3A_247 : vector<16xi32>
      %get3A_249 = arith.index_cast %scan3A_116 : i32 to index
      %get3A_250 = arith.constant 336 : index
      %get3A_251 = tpu.vector_load %arg5[%get3A_249, %get3A_250] {strides = array<i32>} : memref<32x512xi32, #tpu.memory_space<vmem>>, vector<1x16xi32>,
      %get3A_252 = vector.shape_cast %get3A_251 : vector<1x16xi32> to vector<16xi32>
      %shift_left3A_253 = arith.shli %broadcast_in_dim3A_72, %get3A_252 : vector<16xi32>
      %or3A_254 = arith.ori %or3A_206, %shift_left3A_253 : vector<16xi32>
      %get3A_255 = arith.index_cast %scan3A_116 : i32 to index
      %get3A_256 = arith.constant 352 : index
      %get3A_257 = tpu.vector_load %arg5[%get3A_255, %get3A_256] {strides = array<i32>} : memref<32x512xi32, #tpu.memory_space<vmem>>, vector<1x16xi32>,
      %get3A_258 = vector.shape_cast %get3A_257 : vector<1x16xi32> to vector<16xi32>
      %shift_left3A_259 = arith.shli %broadcast_in_dim3A_72, %get3A_258 : vector<16xi32>
      %or3A_260 = arith.ori %or3A_212, %shift_left3A_259 : vector<16xi32>
      %get3A_261 = arith.index_cast %scan3A_116 : i32 to index
      %get3A_262 = arith.constant 368 : index
      %get3A_263 = tpu.vector_load %arg5[%get3A_261, %get3A_262] {strides = array<i32>} : memref<32x512xi32, #tpu.memory_space<vmem>>, vector<1x16xi32>,
      %get3A_264 = vector.shape_cast %get3A_263 : vector<1x16xi32> to vector<16xi32>
      %shift_left3A_265 = arith.shli %broadcast_in_dim3A_72, %get3A_264 : vector<16xi32>
      %or3A_266 = arith.ori %or3A_218, %shift_left3A_265 : vector<16xi32>
      %get3A_267 = arith.index_cast %scan3A_116 : i32 to index
      %get3A_268 = arith.constant 384 : index
      %get3A_269 = tpu.vector_load %arg5[%get3A_267, %get3A_268] {strides = array<i32>} : memref<32x512xi32, #tpu.memory_space<vmem>>, vector<1x16xi32>,
      %get3A_270 = vector.shape_cast %get3A_269 : vector<1x16xi32> to vector<16xi32>
      %shift_left3A_271 = arith.shli %broadcast_in_dim3A_72, %get3A_270 : vector<16xi32>
      %or3A_272 = arith.ori %or3A_224, %shift_left3A_271 : vector<16xi32>
      %get3A_273 = arith.index_cast %scan3A_116 : i32 to index
      %get3A_274 = arith.constant 400 : index
      %get3A_275 = tpu.vector_load %arg5[%get3A_273, %get3A_274] {strides = array<i32>} : memref<32x512xi32, #tpu.memory_space<vmem>>, vector<1x16xi32>,
      %get3A_276 = vector.shape_cast %get3A_275 : vector<1x16xi32> to vector<16xi32>
      %shift_left3A_277 = arith.shli %broadcast_in_dim3A_72, %get3A_276 : vector<16xi32>
      %or3A_278 = arith.ori %or3A_230, %shift_left3A_277 : vector<16xi32>
      %get3A_279 = arith.index_cast %scan3A_116 : i32 to index
      %get3A_280 = arith.constant 416 : index
      %get3A_281 = tpu.vector_load %arg5[%get3A_279, %get3A_280] {strides = array<i32>} : memref<32x512xi32, #tpu.memory_space<vmem>>, vector<1x16xi32>,
      %get3A_282 = vector.shape_cast %get3A_281 : vector<1x16xi32> to vector<16xi32>
      %shift_left3A_283 = arith.shli %broadcast_in_dim3A_72, %get3A_282 : vector<16xi32>
      %or3A_284 = arith.ori %or3A_236, %shift_left3A_283 : vector<16xi32>
      %get3A_285 = arith.index_cast %scan3A_116 : i32 to index
      %get3A_286 = arith.constant 432 : index
      %get3A_287 = tpu.vector_load %arg5[%get3A_285, %get3A_286] {strides = array<i32>} : memref<32x512xi32, #tpu.memory_space<vmem>>, vector<1x16xi32>,
      %get3A_288 = vector.shape_cast %get3A_287 : vector<1x16xi32> to vector<16xi32>
      %shift_left3A_289 = arith.shli %broadcast_in_dim3A_72, %get3A_288 : vector<16xi32>
      %or3A_290 = arith.ori %or3A_242, %shift_left3A_289 : vector<16xi32>
      %get3A_291 = arith.index_cast %scan3A_116 : i32 to index
      %get3A_292 = arith.constant 448 : index
      %get3A_293 = tpu.vector_load %arg5[%get3A_291, %get3A_292] {strides = array<i32>} : memref<32x512xi32, #tpu.memory_space<vmem>>, vector<1x16xi32>,
      %get3A_294 = vector.shape_cast %get3A_293 : vector<1x16xi32> to vector<16xi32>
      %shift_left3A_295 = arith.shli %broadcast_in_dim3A_72, %get3A_294 : vector<16xi32>
      %or3A_296 = arith.ori %or3A_248, %shift_left3A_295 : vector<16xi32>
      %get3A_297 = arith.index_cast %scan3A_116 : i32 to index
      %get3A_298 = arith.constant 464 : index
      %get3A_299 = tpu.vector_load %arg5[%get3A_297, %get3A_298] {strides = array<i32>} : memref<32x512xi32, #tpu.memory_space<vmem>>, vector<1x16xi32>,
      %get3A_300 = vector.shape_cast %get3A_299 : vector<1x16xi32> to vector<16xi32>
      %shift_left3A_301 = arith.shli %broadcast_in_dim3A_72, %get3A_300 : vector<16xi32>
      %or3A_302 = arith.ori %or3A_254, %shift_left3A_301 : vector<16xi32>
      %get3A_303 = arith.index_cast %scan3A_116 : i32 to index
      %get3A_304 = arith.constant 480 : index
      %get3A_305 = tpu.vector_load %arg5[%get3A_303, %get3A_304] {strides = array<i32>} : memref<32x512xi32, #tpu.memory_space<vmem>>, vector<1x16xi32>,
      %get3A_306 = vector.shape_cast %get3A_305 : vector<1x16xi32> to vector<16xi32>
      %shift_left3A_307 = arith.shli %broadcast_in_dim3A_72, %get3A_306 : vector<16xi32>
      %or3A_308 = arith.ori %or3A_260, %shift_left3A_307 : vector<16xi32>
      %get3A_309 = arith.index_cast %scan3A_116 : i32 to index
      %get3A_310 = arith.constant 496 : index
      %get3A_311 = tpu.vector_load %arg5[%get3A_309, %get3A_310] {strides = array<i32>} : memref<32x512xi32, #tpu.memory_space<vmem>>, vector<1x16xi32>,
      %get3A_312 = vector.shape_cast %get3A_311 : vector<1x16xi32> to vector<16xi32>
      %shift_left3A_313 = arith.shli %broadcast_in_dim3A_72, %get3A_312 : vector<16xi32>
      %or3A_314 = arith.ori %or3A_266, %shift_left3A_313 : vector<16xi32>
      scf.yield %or3A_272, %or3A_278, %or3A_284, %or3A_290, %or3A_296, %or3A_302, %or3A_308, %or3A_314 : vector<16xi32>, vector<16xi32>, vector<16xi32>, vector<16xi32>, vector<16xi32>, vector<16xi32>, vector<16xi32>, vector<16xi32>
    }
    %scan3A_94 = arith.constant 32 : i32
    %dma_wait3A_95 = arith.constant 0 : i32
    %dma_wait3A_96 = tpu.memref_slice %arg2[%select_n3A_30, %add3A_49, %dma_wait3A_95] : memref<16x512x512xi32, #tpu.memory_space<hbm>> -> memref<1x32x512xi32, #tpu.memory_space<hbm>>
    %dma_wait3A_97 = tpu.memref_squeeze %dma_wait3A_96 : memref<1x32x512xi32, #tpu.memory_space<hbm>> -> memref<32x512xi32, #tpu.memory_space<hbm>>
    %dma_wait3A_98 = arith.constant 0 : i32
    %dma_wait3A_99 = tpu.memref_slice %arg2[%select_n3A_30, %add3A_49, %dma_wait3A_98] : memref<16x512x512xi32, #tpu.memory_space<hbm>> -> memref<1x32x512xi32, #tpu.memory_space<hbm>>
    %dma_wait3A_100 = tpu.memref_squeeze %dma_wait3A_99 : memref<1x32x512xi32, #tpu.memory_space<hbm>> -> memref<32x512xi32, #tpu.memory_space<hbm>>
    tpu.wait_dma2 semaphore(%arg11 : memref<!tpu.dma_semaphore, #tpu.memory_space<semaphore_mem>>) src(%dma_wait3A_100 : memref<32x512xi32, #tpu.memory_space<hbm>>) dst(%arg6 : memref<32x512xi32, #tpu.memory_space<vmem>>)
    %scan3A_101 = arith.constant 0 : i32
    %scan3A_102 = arith.constant 32 : i32
    %scan3A_103 = arith.addi %scan3A_101, %scan3A_102 : i32
    %scan3A_104 = arith.constant 1 : i32
    %scan3A_105:8 = scf.for %scan3A_116 = %scan3A_101 to %scan3A_103 step %scan3A_104 iter_args(%scan3A_117 = %scan3A_93#0, %scan3A_118 = %scan3A_93#1, %scan3A_119 = %scan3A_93#2, %scan3A_120 = %scan3A_93#3, %scan3A_121 = %scan3A_93#4, %scan3A_122 = %scan3A_93#5, %scan3A_123 = %scan3A_93#6, %scan3A_124 = %scan3A_93#7) -> (vector<16xi32>, vector<16xi32>, vector<16xi32>, vector<16xi32>, vector<16xi32>, vector<16xi32>, vector<16xi32>, vector<16xi32>)  : i32 {
      %get3A = arith.index_cast %scan3A_116 : i32 to index
      %get3A_125 = arith.constant 0 : index
      %get3A_126 = tpu.vector_load %arg6[%get3A, %get3A_125] {strides = array<i32>} : memref<32x512xi32, #tpu.memory_space<vmem>>, vector<1x16xi32>,
      %get3A_127 = vector.shape_cast %get3A_126 : vector<1x16xi32> to vector<16xi32>
      %shift_left3A = arith.shli %broadcast_in_dim3A_72, %get3A_127 : vector<16xi32>
      %or3A_128 = arith.ori %scan3A_117, %shift_left3A : vector<16xi32>
      %get3A_129 = arith.index_cast %scan3A_116 : i32 to index
      %get3A_130 = arith.constant 16 : index
      %get3A_131 = tpu.vector_load %arg6[%get3A_129, %get3A_130] {strides = array<i32>} : memref<32x512xi32, #tpu.memory_space<vmem>>, vector<1x16xi32>,
      %get3A_132 = vector.shape_cast %get3A_131 : vector<1x16xi32> to vector<16xi32>
      %shift_left3A_133 = arith.shli %broadcast_in_dim3A_72, %get3A_132 : vector<16xi32>
      %or3A_134 = arith.ori %scan3A_118, %shift_left3A_133 : vector<16xi32>
      %get3A_135 = arith.index_cast %scan3A_116 : i32 to index
      %get3A_136 = arith.constant 32 : index
      %get3A_137 = tpu.vector_load %arg6[%get3A_135, %get3A_136] {strides = array<i32>} : memref<32x512xi32, #tpu.memory_space<vmem>>, vector<1x16xi32>,
      %get3A_138 = vector.shape_cast %get3A_137 : vector<1x16xi32> to vector<16xi32>
      %shift_left3A_139 = arith.shli %broadcast_in_dim3A_72, %get3A_138 : vector<16xi32>
      %or3A_140 = arith.ori %scan3A_119, %shift_left3A_139 : vector<16xi32>
      %get3A_141 = arith.index_cast %scan3A_116 : i32 to index
      %get3A_142 = arith.constant 48 : index
      %get3A_143 = tpu.vector_load %arg6[%get3A_141, %get3A_142] {strides = array<i32>} : memref<32x512xi32, #tpu.memory_space<vmem>>, vector<1x16xi32>,
      %get3A_144 = vector.shape_cast %get3A_143 : vector<1x16xi32> to vector<16xi32>
      %shift_left3A_145 = arith.shli %broadcast_in_dim3A_72, %get3A_144 : vector<16xi32>
      %or3A_146 = arith.ori %scan3A_120, %shift_left3A_145 : vector<16xi32>
      %get3A_147 = arith.index_cast %scan3A_116 : i32 to index
      %get3A_148 = arith.constant 64 : index
      %get3A_149 = tpu.vector_load %arg6[%get3A_147, %get3A_148] {strides = array<i32>} : memref<32x512xi32, #tpu.memory_space<vmem>>, vector<1x16xi32>,
      %get3A_150 = vector.shape_cast %get3A_149 : vector<1x16xi32> to vector<16xi32>
      %shift_left3A_151 = arith.shli %broadcast_in_dim3A_72, %get3A_150 : vector<16xi32>
      %or3A_152 = arith.ori %scan3A_121, %shift_left3A_151 : vector<16xi32>
      %get3A_153 = arith.index_cast %scan3A_116 : i32 to index
      %get3A_154 = arith.constant 80 : index
      %get3A_155 = tpu.vector_load %arg6[%get3A_153, %get3A_154] {strides = array<i32>} : memref<32x512xi32, #tpu.memory_space<vmem>>, vector<1x16xi32>,
      %get3A_156 = vector.shape_cast %get3A_155 : vector<1x16xi32> to vector<16xi32>
      %shift_left3A_157 = arith.shli %broadcast_in_dim3A_72, %get3A_156 : vector<16xi32>
      %or3A_158 = arith.ori %scan3A_122, %shift_left3A_157 : vector<16xi32>
      %get3A_159 = arith.index_cast %scan3A_116 : i32 to index
      %get3A_160 = arith.constant 96 : index
      %get3A_161 = tpu.vector_load %arg6[%get3A_159, %get3A_160] {strides = array<i32>} : memref<32x512xi32, #tpu.memory_space<vmem>>, vector<1x16xi32>,
      %get3A_162 = vector.shape_cast %get3A_161 : vector<1x16xi32> to vector<16xi32>
      %shift_left3A_163 = arith.shli %broadcast_in_dim3A_72, %get3A_162 : vector<16xi32>
      %or3A_164 = arith.ori %scan3A_123, %shift_left3A_163 : vector<16xi32>
      %get3A_165 = arith.index_cast %scan3A_116 : i32 to index
      %get3A_166 = arith.constant 112 : index
      %get3A_167 = tpu.vector_load %arg6[%get3A_165, %get3A_166] {strides = array<i32>} : memref<32x512xi32, #tpu.memory_space<vmem>>, vector<1x16xi32>,
      %get3A_168 = vector.shape_cast %get3A_167 : vector<1x16xi32> to vector<16xi32>
      %shift_left3A_169 = arith.shli %broadcast_in_dim3A_72, %get3A_168 : vector<16xi32>
      %or3A_170 = arith.ori %scan3A_124, %shift_left3A_169 : vector<16xi32>
      %get3A_171 = arith.index_cast %scan3A_116 : i32 to index
      %get3A_172 = arith.constant 128 : index
      %get3A_173 = tpu.vector_load %arg6[%get3A_171, %get3A_172] {strides = array<i32>} : memref<32x512xi32, #tpu.memory_space<vmem>>, vector<1x16xi32>,
      %get3A_174 = vector.shape_cast %get3A_173 : vector<1x16xi32> to vector<16xi32>
      %shift_left3A_175 = arith.shli %broadcast_in_dim3A_72, %get3A_174 : vector<16xi32>
      %or3A_176 = arith.ori %or3A_128, %shift_left3A_175 : vector<16xi32>
      %get3A_177 = arith.index_cast %scan3A_116 : i32 to index
      %get3A_178 = arith.constant 144 : index
      %get3A_179 = tpu.vector_load %arg6[%get3A_177, %get3A_178] {strides = array<i32>} : memref<32x512xi32, #tpu.memory_space<vmem>>, vector<1x16xi32>,
      %get3A_180 = vector.shape_cast %get3A_179 : vector<1x16xi32> to vector<16xi32>
      %shift_left3A_181 = arith.shli %broadcast_in_dim3A_72, %get3A_180 : vector<16xi32>
      %or3A_182 = arith.ori %or3A_134, %shift_left3A_181 : vector<16xi32>
      %get3A_183 = arith.index_cast %scan3A_116 : i32 to index
      %get3A_184 = arith.constant 160 : index
      %get3A_185 = tpu.vector_load %arg6[%get3A_183, %get3A_184] {strides = array<i32>} : memref<32x512xi32, #tpu.memory_space<vmem>>, vector<1x16xi32>,
      %get3A_186 = vector.shape_cast %get3A_185 : vector<1x16xi32> to vector<16xi32>
      %shift_left3A_187 = arith.shli %broadcast_in_dim3A_72, %get3A_186 : vector<16xi32>
      %or3A_188 = arith.ori %or3A_140, %shift_left3A_187 : vector<16xi32>
      %get3A_189 = arith.index_cast %scan3A_116 : i32 to index
      %get3A_190 = arith.constant 176 : index
      %get3A_191 = tpu.vector_load %arg6[%get3A_189, %get3A_190] {strides = array<i32>} : memref<32x512xi32, #tpu.memory_space<vmem>>, vector<1x16xi32>,
      %get3A_192 = vector.shape_cast %get3A_191 : vector<1x16xi32> to vector<16xi32>
      %shift_left3A_193 = arith.shli %broadcast_in_dim3A_72, %get3A_192 : vector<16xi32>
      %or3A_194 = arith.ori %or3A_146, %shift_left3A_193 : vector<16xi32>
      %get3A_195 = arith.index_cast %scan3A_116 : i32 to index
      %get3A_196 = arith.constant 192 : index
      %get3A_197 = tpu.vector_load %arg6[%get3A_195, %get3A_196] {strides = array<i32>} : memref<32x512xi32, #tpu.memory_space<vmem>>, vector<1x16xi32>,
      %get3A_198 = vector.shape_cast %get3A_197 : vector<1x16xi32> to vector<16xi32>
      %shift_left3A_199 = arith.shli %broadcast_in_dim3A_72, %get3A_198 : vector<16xi32>
      %or3A_200 = arith.ori %or3A_152, %shift_left3A_199 : vector<16xi32>
      %get3A_201 = arith.index_cast %scan3A_116 : i32 to index
      %get3A_202 = arith.constant 208 : index
      %get3A_203 = tpu.vector_load %arg6[%get3A_201, %get3A_202] {strides = array<i32>} : memref<32x512xi32, #tpu.memory_space<vmem>>, vector<1x16xi32>,
      %get3A_204 = vector.shape_cast %get3A_203 : vector<1x16xi32> to vector<16xi32>
      %shift_left3A_205 = arith.shli %broadcast_in_dim3A_72, %get3A_204 : vector<16xi32>
      %or3A_206 = arith.ori %or3A_158, %shift_left3A_205 : vector<16xi32>
      %get3A_207 = arith.index_cast %scan3A_116 : i32 to index
      %get3A_208 = arith.constant 224 : index
      %get3A_209 = tpu.vector_load %arg6[%get3A_207, %get3A_208] {strides = array<i32>} : memref<32x512xi32, #tpu.memory_space<vmem>>, vector<1x16xi32>,
      %get3A_210 = vector.shape_cast %get3A_209 : vector<1x16xi32> to vector<16xi32>
      %shift_left3A_211 = arith.shli %broadcast_in_dim3A_72, %get3A_210 : vector<16xi32>
      %or3A_212 = arith.ori %or3A_164, %shift_left3A_211 : vector<16xi32>
      %get3A_213 = arith.index_cast %scan3A_116 : i32 to index
      %get3A_214 = arith.constant 240 : index
      %get3A_215 = tpu.vector_load %arg6[%get3A_213, %get3A_214] {strides = array<i32>} : memref<32x512xi32, #tpu.memory_space<vmem>>, vector<1x16xi32>,
      %get3A_216 = vector.shape_cast %get3A_215 : vector<1x16xi32> to vector<16xi32>
      %shift_left3A_217 = arith.shli %broadcast_in_dim3A_72, %get3A_216 : vector<16xi32>
      %or3A_218 = arith.ori %or3A_170, %shift_left3A_217 : vector<16xi32>
      %get3A_219 = arith.index_cast %scan3A_116 : i32 to index
      %get3A_220 = arith.constant 256 : index
      %get3A_221 = tpu.vector_load %arg6[%get3A_219, %get3A_220] {strides = array<i32>} : memref<32x512xi32, #tpu.memory_space<vmem>>, vector<1x16xi32>,
      %get3A_222 = vector.shape_cast %get3A_221 : vector<1x16xi32> to vector<16xi32>
      %shift_left3A_223 = arith.shli %broadcast_in_dim3A_72, %get3A_222 : vector<16xi32>
      %or3A_224 = arith.ori %or3A_176, %shift_left3A_223 : vector<16xi32>
      %get3A_225 = arith.index_cast %scan3A_116 : i32 to index
      %get3A_226 = arith.constant 272 : index
      %get3A_227 = tpu.vector_load %arg6[%get3A_225, %get3A_226] {strides = array<i32>} : memref<32x512xi32, #tpu.memory_space<vmem>>, vector<1x16xi32>,
      %get3A_228 = vector.shape_cast %get3A_227 : vector<1x16xi32> to vector<16xi32>
      %shift_left3A_229 = arith.shli %broadcast_in_dim3A_72, %get3A_228 : vector<16xi32>
      %or3A_230 = arith.ori %or3A_182, %shift_left3A_229 : vector<16xi32>
      %get3A_231 = arith.index_cast %scan3A_116 : i32 to index
      %get3A_232 = arith.constant 288 : index
      %get3A_233 = tpu.vector_load %arg6[%get3A_231, %get3A_232] {strides = array<i32>} : memref<32x512xi32, #tpu.memory_space<vmem>>, vector<1x16xi32>,
      %get3A_234 = vector.shape_cast %get3A_233 : vector<1x16xi32> to vector<16xi32>
      %shift_left3A_235 = arith.shli %broadcast_in_dim3A_72, %get3A_234 : vector<16xi32>
      %or3A_236 = arith.ori %or3A_188, %shift_left3A_235 : vector<16xi32>
      %get3A_237 = arith.index_cast %scan3A_116 : i32 to index
      %get3A_238 = arith.constant 304 : index
      %get3A_239 = tpu.vector_load %arg6[%get3A_237, %get3A_238] {strides = array<i32>} : memref<32x512xi32, #tpu.memory_space<vmem>>, vector<1x16xi32>,
      %get3A_240 = vector.shape_cast %get3A_239 : vector<1x16xi32> to vector<16xi32>
      %shift_left3A_241 = arith.shli %broadcast_in_dim3A_72, %get3A_240 : vector<16xi32>
      %or3A_242 = arith.ori %or3A_194, %shift_left3A_241 : vector<16xi32>
      %get3A_243 = arith.index_cast %scan3A_116 : i32 to index
      %get3A_244 = arith.constant 320 : index
      %get3A_245 = tpu.vector_load %arg6[%get3A_243, %get3A_244] {strides = array<i32>} : memref<32x512xi32, #tpu.memory_space<vmem>>, vector<1x16xi32>,
      %get3A_246 = vector.shape_cast %get3A_245 : vector<1x16xi32> to vector<16xi32>
      %shift_left3A_247 = arith.shli %broadcast_in_dim3A_72, %get3A_246 : vector<16xi32>
      %or3A_248 = arith.ori %or3A_200, %shift_left3A_247 : vector<16xi32>
      %get3A_249 = arith.index_cast %scan3A_116 : i32 to index
      %get3A_250 = arith.constant 336 : index
      %get3A_251 = tpu.vector_load %arg6[%get3A_249, %get3A_250] {strides = array<i32>} : memref<32x512xi32, #tpu.memory_space<vmem>>, vector<1x16xi32>,
      %get3A_252 = vector.shape_cast %get3A_251 : vector<1x16xi32> to vector<16xi32>
      %shift_left3A_253 = arith.shli %broadcast_in_dim3A_72, %get3A_252 : vector<16xi32>
      %or3A_254 = arith.ori %or3A_206, %shift_left3A_253 : vector<16xi32>
      %get3A_255 = arith.index_cast %scan3A_116 : i32 to index
      %get3A_256 = arith.constant 352 : index
      %get3A_257 = tpu.vector_load %arg6[%get3A_255, %get3A_256] {strides = array<i32>} : memref<32x512xi32, #tpu.memory_space<vmem>>, vector<1x16xi32>,
      %get3A_258 = vector.shape_cast %get3A_257 : vector<1x16xi32> to vector<16xi32>
      %shift_left3A_259 = arith.shli %broadcast_in_dim3A_72, %get3A_258 : vector<16xi32>
      %or3A_260 = arith.ori %or3A_212, %shift_left3A_259 : vector<16xi32>
      %get3A_261 = arith.index_cast %scan3A_116 : i32 to index
      %get3A_262 = arith.constant 368 : index
      %get3A_263 = tpu.vector_load %arg6[%get3A_261, %get3A_262] {strides = array<i32>} : memref<32x512xi32, #tpu.memory_space<vmem>>, vector<1x16xi32>,
      %get3A_264 = vector.shape_cast %get3A_263 : vector<1x16xi32> to vector<16xi32>
      %shift_left3A_265 = arith.shli %broadcast_in_dim3A_72, %get3A_264 : vector<16xi32>
      %or3A_266 = arith.ori %or3A_218, %shift_left3A_265 : vector<16xi32>
      %get3A_267 = arith.index_cast %scan3A_116 : i32 to index
      %get3A_268 = arith.constant 384 : index
      %get3A_269 = tpu.vector_load %arg6[%get3A_267, %get3A_268] {strides = array<i32>} : memref<32x512xi32, #tpu.memory_space<vmem>>, vector<1x16xi32>,
      %get3A_270 = vector.shape_cast %get3A_269 : vector<1x16xi32> to vector<16xi32>
      %shift_left3A_271 = arith.shli %broadcast_in_dim3A_72, %get3A_270 : vector<16xi32>
      %or3A_272 = arith.ori %or3A_224, %shift_left3A_271 : vector<16xi32>
      %get3A_273 = arith.index_cast %scan3A_116 : i32 to index
      %get3A_274 = arith.constant 400 : index
      %get3A_275 = tpu.vector_load %arg6[%get3A_273, %get3A_274] {strides = array<i32>} : memref<32x512xi32, #tpu.memory_space<vmem>>, vector<1x16xi32>,
      %get3A_276 = vector.shape_cast %get3A_275 : vector<1x16xi32> to vector<16xi32>
      %shift_left3A_277 = arith.shli %broadcast_in_dim3A_72, %get3A_276 : vector<16xi32>
      %or3A_278 = arith.ori %or3A_230, %shift_left3A_277 : vector<16xi32>
      %get3A_279 = arith.index_cast %scan3A_116 : i32 to index
      %get3A_280 = arith.constant 416 : index
      %get3A_281 = tpu.vector_load %arg6[%get3A_279, %get3A_280] {strides = array<i32>} : memref<32x512xi32, #tpu.memory_space<vmem>>, vector<1x16xi32>,
      %get3A_282 = vector.shape_cast %get3A_281 : vector<1x16xi32> to vector<16xi32>
      %shift_left3A_283 = arith.shli %broadcast_in_dim3A_72, %get3A_282 : vector<16xi32>
      %or3A_284 = arith.ori %or3A_236, %shift_left3A_283 : vector<16xi32>
      %get3A_285 = arith.index_cast %scan3A_116 : i32 to index
      %get3A_286 = arith.constant 432 : index
      %get3A_287 = tpu.vector_load %arg6[%get3A_285, %get3A_286] {strides = array<i32>} : memref<32x512xi32, #tpu.memory_space<vmem>>, vector<1x16xi32>,
      %get3A_288 = vector.shape_cast %get3A_287 : vector<1x16xi32> to vector<16xi32>
      %shift_left3A_289 = arith.shli %broadcast_in_dim3A_72, %get3A_288 : vector<16xi32>
      %or3A_290 = arith.ori %or3A_242, %shift_left3A_289 : vector<16xi32>
      %get3A_291 = arith.index_cast %scan3A_116 : i32 to index
      %get3A_292 = arith.constant 448 : index
      %get3A_293 = tpu.vector_load %arg6[%get3A_291, %get3A_292] {strides = array<i32>} : memref<32x512xi32, #tpu.memory_space<vmem>>, vector<1x16xi32>,
      %get3A_294 = vector.shape_cast %get3A_293 : vector<1x16xi32> to vector<16xi32>
      %shift_left3A_295 = arith.shli %broadcast_in_dim3A_72, %get3A_294 : vector<16xi32>
      %or3A_296 = arith.ori %or3A_248, %shift_left3A_295 : vector<16xi32>
      %get3A_297 = arith.index_cast %scan3A_116 : i32 to index
      %get3A_298 = arith.constant 464 : index
      %get3A_299 = tpu.vector_load %arg6[%get3A_297, %get3A_298] {strides = array<i32>} : memref<32x512xi32, #tpu.memory_space<vmem>>, vector<1x16xi32>,
      %get3A_300 = vector.shape_cast %get3A_299 : vector<1x16xi32> to vector<16xi32>
      %shift_left3A_301 = arith.shli %broadcast_in_dim3A_72, %get3A_300 : vector<16xi32>
      %or3A_302 = arith.ori %or3A_254, %shift_left3A_301 : vector<16xi32>
      %get3A_303 = arith.index_cast %scan3A_116 : i32 to index
      %get3A_304 = arith.constant 480 : index
      %get3A_305 = tpu.vector_load %arg6[%get3A_303, %get3A_304] {strides = array<i32>} : memref<32x512xi32, #tpu.memory_space<vmem>>, vector<1x16xi32>,
      %get3A_306 = vector.shape_cast %get3A_305 : vector<1x16xi32> to vector<16xi32>
      %shift_left3A_307 = arith.shli %broadcast_in_dim3A_72, %get3A_306 : vector<16xi32>
      %or3A_308 = arith.ori %or3A_260, %shift_left3A_307 : vector<16xi32>
      %get3A_309 = arith.index_cast %scan3A_116 : i32 to index
      %get3A_310 = arith.constant 496 : index
      %get3A_311 = tpu.vector_load %arg6[%get3A_309, %get3A_310] {strides = array<i32>} : memref<32x512xi32, #tpu.memory_space<vmem>>, vector<1x16xi32>,
      %get3A_312 = vector.shape_cast %get3A_311 : vector<1x16xi32> to vector<16xi32>
      %shift_left3A_313 = arith.shli %broadcast_in_dim3A_72, %get3A_312 : vector<16xi32>
      %or3A_314 = arith.ori %or3A_266, %shift_left3A_313 : vector<16xi32>
      scf.yield %or3A_272, %or3A_278, %or3A_284, %or3A_290, %or3A_296, %or3A_302, %or3A_308, %or3A_314 : vector<16xi32>, vector<16xi32>, vector<16xi32>, vector<16xi32>, vector<16xi32>, vector<16xi32>, vector<16xi32>, vector<16xi32>
    }
    %scan3A_106 = arith.constant 32 : i32
    %or3A = arith.ori %scan3A_105#0, %scan3A_105#1 : vector<16xi32>
    %or3A_107 = arith.ori %or3A, %scan3A_105#2 : vector<16xi32>
    %or3A_108 = arith.ori %or3A_107, %scan3A_105#3 : vector<16xi32>
    %or3A_109 = arith.ori %or3A_108, %scan3A_105#4 : vector<16xi32>
    %or3A_110 = arith.ori %or3A_109, %scan3A_105#5 : vector<16xi32>
    %or3A_111 = arith.ori %or3A_110, %scan3A_105#6 : vector<16xi32>
    %or3A_112 = arith.ori %or3A_111, %scan3A_105#7 : vector<16xi32>
    %swap3A = arith.constant 0 : index
    %swap3A_113 = tpu.vector_load %arg8[%swap3A] {strides = array<i32>} : memref<16xi32, #tpu.memory_space<vmem>>, vector<16xi32>,
    %swap3A_114 = vector.shape_cast %swap3A_113 : vector<16xi32> to vector<16xi32>
    %swap3A_115 = vector.shape_cast %or3A_112 : vector<16xi32> to vector<16xi32>
    tpu.vector_store %arg8[%swap3A], %swap3A_115 {strides = array<i32>} : memref<16xi32, #tpu.memory_space<vmem>>, vector<16xi32>,
    "tpu.region"() ({
      %run_scoped3A = tpu.sem_alloc : memref<!tpu.dma_semaphore, #tpu.memory_space<semaphore_mem>>
      %dma_start3A_116 = arith.constant 0 : i32
      %dma_start3A_117 = tpu.memref_slice %arg3[%select_n3A, %select_n3A_30, %dma_start3A_116] : memref<2x16x16xi32, #tpu.memory_space<hbm>> -> memref<1x1x16xi32, #tpu.memory_space<hbm>>
      %dma_start3A_118 = tpu.memref_squeeze %dma_start3A_117 : memref<1x1x16xi32, #tpu.memory_space<hbm>> -> memref<16xi32, #tpu.memory_space<hbm>>
      %dma_start3A_119 = arith.constant 0 : i32
      %dma_start3A_120 = tpu.memref_slice %arg3[%select_n3A, %select_n3A_30, %dma_start3A_119] : memref<2x16x16xi32, #tpu.memory_space<hbm>> -> memref<1x1x16xi32, #tpu.memory_space<hbm>>
      %dma_start3A_121 = tpu.memref_squeeze %dma_start3A_120 : memref<1x1x16xi32, #tpu.memory_space<hbm>> -> memref<16xi32, #tpu.memory_space<hbm>>
      tpu.enqueue_dma source(%arg8 : memref<16xi32, #tpu.memory_space<vmem>>) target(%dma_start3A_121 : memref<16xi32, #tpu.memory_space<hbm>>) target_semaphore(%run_scoped3A : memref<!tpu.dma_semaphore, #tpu.memory_space<semaphore_mem>>)
      %dma_wait3A_122 = arith.constant 0 : i32
      %dma_wait3A_123 = tpu.memref_slice %arg3[%select_n3A, %select_n3A_30, %dma_wait3A_122] : memref<2x16x16xi32, #tpu.memory_space<hbm>> -> memref<1x1x16xi32, #tpu.memory_space<hbm>>
      %dma_wait3A_124 = tpu.memref_squeeze %dma_wait3A_123 : memref<1x1x16xi32, #tpu.memory_space<hbm>> -> memref<16xi32, #tpu.memory_space<hbm>>
      %dma_wait3A_125 = arith.constant 0 : i32
      %dma_wait3A_126 = tpu.memref_slice %arg3[%select_n3A, %select_n3A_30, %dma_wait3A_125] : memref<2x16x16xi32, #tpu.memory_space<hbm>> -> memref<1x1x16xi32, #tpu.memory_space<hbm>>
      %dma_wait3A_127 = tpu.memref_squeeze %dma_wait3A_126 : memref<1x1x16xi32, #tpu.memory_space<hbm>> -> memref<16xi32, #tpu.memory_space<hbm>>
      tpu.wait_dma2 semaphore(%run_scoped3A : memref<!tpu.dma_semaphore, #tpu.memory_space<semaphore_mem>>) src(%arg8 : memref<16xi32, #tpu.memory_space<vmem>>) dst(%dma_wait3A_127 : memref<16xi32, #tpu.memory_space<hbm>>)
      tpu.yield
    }) : () -> ()
    return
  }
}

module attributes {stable_mosaic.version = 14 : i64} {
  func.func @_tc_pres_body(%arg0: i32, %arg1: memref<16x32x512xi32, #tpu.memory_space<vmem>>, %arg2: memref<16x32x512xi32, #tpu.memory_space<vmem>>, %arg3: memref<16x19xi32, #tpu.memory_space<vmem>>, %arg4: memref<16x8x128xi32, #tpu.memory_space<vmem>>) attributes {dimension_semantics = [#tpu.dimension_semantics<arbitrary>], iteration_bounds = array<i64: 5>, scalar_prefetch = 0 : i64, scratch_operands = 1 : i64, tpu.core_type = #tpu.core_type<tc>, window_params = [{transform_indices = @transform_0, window_bounds = array<i64: 16, 32, 512>}, {transform_indices = @transform_1, window_bounds = array<i64: 16, 32, 512>}, {pipeline_mode = #tpu.pipeline_mode<synchronous>, transform_indices = @transform_2, window_bounds = array<i64: 16, 19>}]} {
    %get3A = arith.constant 0 : index
    %get3A_0 = arith.constant 0 : index
    %get3A_1 = arith.constant 0 : index
    %get3A_2 = vector.load %arg1[%get3A, %get3A_0, %get3A_1] : memref<16x32x512xi32, #tpu.memory_space<vmem>>, vector<16x32x512xi32>
    %add3A = arith.constant 127 : i32
    %add3A_3 = vector.broadcast %add3A : i32 to vector<16x32x512xi32>
    %add3A_4 = arith.addi %get3A_2, %add3A_3 : vector<16x32x512xi32>
    %shift_left3A = arith.constant 23 : i32
    %shift_left3A_5 = vector.broadcast %shift_left3A : i32 to vector<16x32x512xi32>
    %shift_left3A_6 = arith.shli %add3A_4, %shift_left3A_5 : vector<16x32x512xi32>
    %bitcast_convert_type3A = tpu.bitcast %shift_left3A_6 : vector<16x32x512xi32> -> vector<16x32x512xf32>
    %convert_element_type3A = arith.fptosi %bitcast_convert_type3A : vector<16x32x512xf32> to vector<16x32x512xi32>
    %slice3A = vector.extract_strided_slice %convert_element_type3A {offsets = [0, 0, 0], sizes = [16, 16, 512], strides = [1, 1, 1]} : vector<16x32x512xi32> to vector<16x16x512xi32>
    %slice3A_7 = vector.extract_strided_slice %convert_element_type3A {offsets = [0, 16, 0], sizes = [16, 16, 512], strides = [1, 1, 1]} : vector<16x32x512xi32> to vector<16x16x512xi32>
    %or3A = arith.ori %slice3A, %slice3A_7 : vector<16x16x512xi32>
    %slice3A_8 = vector.extract_strided_slice %or3A {offsets = [0, 0, 0], sizes = [16, 8, 512], strides = [1, 1, 1]} : vector<16x16x512xi32> to vector<16x8x512xi32>
    %slice3A_9 = vector.extract_strided_slice %or3A {offsets = [0, 8, 0], sizes = [16, 8, 512], strides = [1, 1, 1]} : vector<16x16x512xi32> to vector<16x8x512xi32>
    %or3A_10 = arith.ori %slice3A_8, %slice3A_9 : vector<16x8x512xi32>
    %slice3A_11 = vector.extract_strided_slice %or3A_10 {offsets = [0, 0, 0], sizes = [16, 8, 256], strides = [1, 1, 1]} : vector<16x8x512xi32> to vector<16x8x256xi32>
    %slice3A_12 = vector.extract_strided_slice %or3A_10 {offsets = [0, 0, 256], sizes = [16, 8, 256], strides = [1, 1, 1]} : vector<16x8x512xi32> to vector<16x8x256xi32>
    %or3A_13 = arith.ori %slice3A_11, %slice3A_12 : vector<16x8x256xi32>
    %slice3A_14 = vector.extract_strided_slice %or3A_13 {offsets = [0, 0, 0], sizes = [16, 8, 128], strides = [1, 1, 1]} : vector<16x8x256xi32> to vector<16x8x128xi32>
    %slice3A_15 = vector.extract_strided_slice %or3A_13 {offsets = [0, 0, 128], sizes = [16, 8, 128], strides = [1, 1, 1]} : vector<16x8x256xi32> to vector<16x8x128xi32>
    %or3A_16 = arith.ori %slice3A_14, %slice3A_15 : vector<16x8x128xi32>
    %get3A_17 = arith.constant 0 : index
    %get3A_18 = arith.constant 0 : index
    %get3A_19 = arith.constant 0 : index
    %get3A_20 = vector.load %arg2[%get3A_17, %get3A_18, %get3A_19] : memref<16x32x512xi32, #tpu.memory_space<vmem>>, vector<16x32x512xi32>
    %add3A_21 = arith.constant 127 : i32
    %add3A_22 = vector.broadcast %add3A_21 : i32 to vector<16x32x512xi32>
    %add3A_23 = arith.addi %get3A_20, %add3A_22 : vector<16x32x512xi32>
    %shift_left3A_24 = arith.constant 23 : i32
    %shift_left3A_25 = vector.broadcast %shift_left3A_24 : i32 to vector<16x32x512xi32>
    %shift_left3A_26 = arith.shli %add3A_23, %shift_left3A_25 : vector<16x32x512xi32>
    %bitcast_convert_type3A_27 = tpu.bitcast %shift_left3A_26 : vector<16x32x512xi32> -> vector<16x32x512xf32>
    %convert_element_type3A_28 = arith.fptosi %bitcast_convert_type3A_27 : vector<16x32x512xf32> to vector<16x32x512xi32>
    %slice3A_29 = vector.extract_strided_slice %convert_element_type3A_28 {offsets = [0, 0, 0], sizes = [16, 16, 512], strides = [1, 1, 1]} : vector<16x32x512xi32> to vector<16x16x512xi32>
    %slice3A_30 = vector.extract_strided_slice %convert_element_type3A_28 {offsets = [0, 16, 0], sizes = [16, 16, 512], strides = [1, 1, 1]} : vector<16x32x512xi32> to vector<16x16x512xi32>
    %or3A_31 = arith.ori %slice3A_29, %slice3A_30 : vector<16x16x512xi32>
    %slice3A_32 = vector.extract_strided_slice %or3A_31 {offsets = [0, 0, 0], sizes = [16, 8, 512], strides = [1, 1, 1]} : vector<16x16x512xi32> to vector<16x8x512xi32>
    %slice3A_33 = vector.extract_strided_slice %or3A_31 {offsets = [0, 8, 0], sizes = [16, 8, 512], strides = [1, 1, 1]} : vector<16x16x512xi32> to vector<16x8x512xi32>
    %or3A_34 = arith.ori %slice3A_32, %slice3A_33 : vector<16x8x512xi32>
    %slice3A_35 = vector.extract_strided_slice %or3A_34 {offsets = [0, 0, 0], sizes = [16, 8, 256], strides = [1, 1, 1]} : vector<16x8x512xi32> to vector<16x8x256xi32>
    %slice3A_36 = vector.extract_strided_slice %or3A_34 {offsets = [0, 0, 256], sizes = [16, 8, 256], strides = [1, 1, 1]} : vector<16x8x512xi32> to vector<16x8x256xi32>
    %or3A_37 = arith.ori %slice3A_35, %slice3A_36 : vector<16x8x256xi32>
    %slice3A_38 = vector.extract_strided_slice %or3A_37 {offsets = [0, 0, 0], sizes = [16, 8, 128], strides = [1, 1, 1]} : vector<16x8x256xi32> to vector<16x8x128xi32>
    %slice3A_39 = vector.extract_strided_slice %or3A_37 {offsets = [0, 0, 128], sizes = [16, 8, 128], strides = [1, 1, 1]} : vector<16x8x256xi32> to vector<16x8x128xi32>
    %or3A_40 = arith.ori %slice3A_38, %slice3A_39 : vector<16x8x128xi32>
    %or3A_41 = arith.ori %or3A_16, %or3A_40 : vector<16x8x128xi32>
    %eq3A = arith.constant 0 : i32
    %eq3A_42 = arith.cmpi eq, %arg0, %eq3A : i32
    %convert_element_type3A_43 = arith.extui %eq3A_42 : i1 to i32
    %cond3A = arith.constant 0 : i32
    %cond3A_44 = arith.cmpi ne, %convert_element_type3A_43, %cond3A : i32
    scf.if %cond3A_44 {
      %swap3A = arith.constant 0 : index
      %swap3A_54 = arith.constant 0 : index
      %swap3A_55 = arith.constant 0 : index
      %swap3A_56 = vector.load %arg4[%swap3A, %swap3A_54, %swap3A_55] : memref<16x8x128xi32, #tpu.memory_space<vmem>>, vector<16x8x128xi32>
      tpu.vector_store %arg4[%swap3A, %swap3A_54, %swap3A_55], %or3A_41 {strides = array<i32>} : memref<16x8x128xi32, #tpu.memory_space<vmem>>, vector<16x8x128xi32>,
    } else {
    }
    %gt3A = arith.constant 0 : i32
    %gt3A_45 = arith.cmpi sgt, %arg0, %gt3A : i32
    %convert_element_type3A_46 = arith.extui %gt3A_45 : i1 to i32
    %cond3A_47 = arith.constant 0 : i32
    %cond3A_48 = arith.cmpi ne, %convert_element_type3A_46, %cond3A_47 : i32
    scf.if %cond3A_48 {
      %get3A_54 = arith.constant 0 : index
      %get3A_55 = arith.constant 0 : index
      %get3A_56 = arith.constant 0 : index
      %get3A_57 = vector.load %arg4[%get3A_54, %get3A_55, %get3A_56] : memref<16x8x128xi32, #tpu.memory_space<vmem>>, vector<16x8x128xi32>
      %or3A_58 = arith.ori %get3A_57, %or3A_41 : vector<16x8x128xi32>
      %swap3A = arith.constant 0 : index
      %swap3A_59 = arith.constant 0 : index
      %swap3A_60 = arith.constant 0 : index
      %swap3A_61 = vector.load %arg4[%swap3A, %swap3A_59, %swap3A_60] : memref<16x8x128xi32, #tpu.memory_space<vmem>>, vector<16x8x128xi32>
      tpu.vector_store %arg4[%swap3A, %swap3A_59, %swap3A_60], %or3A_58 {strides = array<i32>} : memref<16x8x128xi32, #tpu.memory_space<vmem>>, vector<16x8x128xi32>,
    } else {
    }
    %eq3A_49 = arith.constant 4 : i32
    %eq3A_50 = arith.cmpi eq, %arg0, %eq3A_49 : i32
    %convert_element_type3A_51 = arith.extui %eq3A_50 : i1 to i32
    %cond3A_52 = arith.constant 0 : i32
    %cond3A_53 = arith.cmpi ne, %convert_element_type3A_51, %cond3A_52 : i32
    scf.if %cond3A_53 {
      %get3A_54 = arith.constant 0 : index
      %get3A_55 = arith.constant 0 : index
      %get3A_56 = arith.constant 0 : index
      %get3A_57 = vector.load %arg4[%get3A_54, %get3A_55, %get3A_56] : memref<16x8x128xi32, #tpu.memory_space<vmem>>, vector<16x8x128xi32>
      %iota3A = tpu.iota {dimensions = array<i32: 3>} : vector<16x8x128x19xi32>
      %broadcast_in_dim3A = vector.shape_cast %get3A_57 : vector<16x8x128xi32> to vector<16x8x128x1xi32>
      %shift_right_arithmetic3A = vector.broadcast %broadcast_in_dim3A : vector<16x8x128x1xi32> to vector<16x8x128x19xi32>
      %shift_right_arithmetic3A_58 = arith.shrsi %shift_right_arithmetic3A, %iota3A : vector<16x8x128x19xi32>
      %and3A = arith.constant 1 : i32
      %and3A_59 = vector.broadcast %and3A : i32 to vector<16x8x128x19xi32>
      %and3A_60 = arith.andi %shift_right_arithmetic3A_58, %and3A_59 : vector<16x8x128x19xi32>
      %reduce_max3A = arith.constant dense<-2147483648> : vector<16x19xi32>
      %reduce_max3A_61 = vector.multi_reduction <maxsi>, %and3A_60, %reduce_max3A [1, 2] : vector<16x8x128x19xi32> to vector<16x19xi32>
      %swap3A = arith.constant 0 : index
      %swap3A_62 = arith.constant 0 : index
      %swap3A_63 = vector.load %arg3[%swap3A, %swap3A_62] : memref<16x19xi32, #tpu.memory_space<vmem>>, vector<16x19xi32>
      tpu.vector_store %arg3[%swap3A, %swap3A_62], %reduce_max3A_61 {strides = array<i32>} : memref<16x19xi32, #tpu.memory_space<vmem>>, vector<16x19xi32>,
    } else {
    }
    return
  }
  func.func @transform_0(%arg0: i32) -> (i32, i32, i32) {
    %add3A = arith.constant 6 : i32
    %add3A_0 = arith.addi %add3A, %arg0 : i32
    %c0_i32 = arith.constant 0 : i32
    %c0_i32_1 = arith.constant 0 : i32
    %c0_i32_2 = arith.constant 0 : i32
    return %c0_i32, %add3A_0, %c0_i32_1 : i32, i32, i32
  }
  func.func @transform_1(%arg0: i32) -> (i32, i32, i32) {
    %add3A = arith.constant 11 : i32
    %add3A_0 = arith.addi %add3A, %arg0 : i32
    %c0_i32 = arith.constant 0 : i32
    %c0_i32_1 = arith.constant 0 : i32
    %c0_i32_2 = arith.constant 0 : i32
    return %c0_i32, %add3A_0, %c0_i32_1 : i32, i32, i32
  }
  func.func @transform_2(%arg0: i32) -> (i32, i32) {
    %c0_i32 = arith.constant 0 : i32
    %c0_i32_0 = arith.constant 0 : i32
    %c0_i32_1 = arith.constant 0 : i32
    return %c0_i32, %c0_i32_0 : i32, i32
  }
}

module attributes {stable_mosaic.version = 14 : i64} {
  func.func @_bce_body(%arg0: memref<16x19xf32, #tpu.memory_space<vmem>>, %arg1: memref<2x16x16xi32, #tpu.memory_space<vmem>>, %arg2: memref<16x19xi32, #tpu.memory_space<vmem>>, %arg3: memref<1x1xf32, #tpu.memory_space<vmem>>) attributes {dimension_semantics = [], scalar_prefetch = 0 : i64, scratch_operands = 0 : i64, tpu.core_type = #tpu.core_type<tc>} {
    %get3A = arith.constant 0 : index
    %get3A_0 = arith.constant 0 : index
    %get3A_1 = arith.constant 0 : index
    %get3A_2 = vector.load %arg1[%get3A, %get3A_0, %get3A_1] : memref<2x16x16xi32, #tpu.memory_space<vmem>>, vector<1x16x16xi32>
    %get3A_3 = vector.shape_cast %get3A_2 : vector<1x16x16xi32> to vector<16x16xi32>
    %get3A_4 = arith.constant 1 : index
    %get3A_5 = arith.constant 0 : index
    %get3A_6 = arith.constant 0 : index
    %get3A_7 = vector.load %arg1[%get3A_4, %get3A_5, %get3A_6] : memref<2x16x16xi32, #tpu.memory_space<vmem>>, vector<1x16x16xi32>
    %get3A_8 = vector.shape_cast %get3A_7 : vector<1x16x16xi32> to vector<16x16xi32>
    %or3A = arith.ori %get3A_3, %get3A_8 : vector<16x16xi32>
    %iota3A = tpu.iota {dimensions = array<i32: 2>} : vector<16x16x19xi32>
    %broadcast_in_dim3A = vector.shape_cast %or3A : vector<16x16xi32> to vector<16x16x1xi32>
    %shift_right_arithmetic3A = vector.broadcast %broadcast_in_dim3A : vector<16x16x1xi32> to vector<16x16x19xi32>
    %shift_right_arithmetic3A_9 = arith.shrsi %shift_right_arithmetic3A, %iota3A : vector<16x16x19xi32>
    %and3A = arith.constant 1 : i32
    %and3A_10 = vector.broadcast %and3A : i32 to vector<16x16x19xi32>
    %and3A_11 = arith.andi %shift_right_arithmetic3A_9, %and3A_10 : vector<16x16x19xi32>
    %reduce_max3A = arith.constant dense<-2147483648> : vector<16x19xi32>
    %reduce_max3A_12 = vector.multi_reduction <maxsi>, %and3A_11, %reduce_max3A [1] : vector<16x16x19xi32> to vector<16x19xi32>
    %get3A_13 = arith.constant 0 : index
    %get3A_14 = arith.constant 0 : index
    %get3A_15 = vector.load %arg2[%get3A_13, %get3A_14] : memref<16x19xi32, #tpu.memory_space<vmem>>, vector<16x19xi32>
    %max3A = arith.maxsi %reduce_max3A_12, %get3A_15 : vector<16x19xi32>
    %convert_element_type3A = arith.sitofp %max3A : vector<16x19xi32> to vector<16x19xf32>
    %get3A_16 = arith.constant 0 : index
    %get3A_17 = arith.constant 0 : index
    %get3A_18 = vector.load %arg0[%get3A_16, %get3A_17] : memref<16x19xf32, #tpu.memory_space<vmem>>, vector<16x19xf32>
    %logistic3A = arith.negf %get3A_18 : vector<16x19xf32>
    %logistic3A_19 = math.exp %logistic3A : vector<16x19xf32>
    %logistic3A_20 = arith.constant 1.000000e+00 : f32
    %logistic3A_21 = vector.broadcast %logistic3A_20 : f32 to vector<16x19xf32>
    %logistic3A_22 = arith.addf %logistic3A_21, %logistic3A_19 : vector<16x19xf32>
    %logistic3A_23 = arith.divf %logistic3A_21, %logistic3A_22 : vector<16x19xf32>
    %log3A = math.log %logistic3A_23 : vector<16x19xf32>
    %max3A_24 = arith.constant -1.000000e+02 : f32
    %max3A_25 = vector.broadcast %max3A_24 : f32 to vector<16x19xf32>
    %max3A_26 = arith.maximumf %log3A, %max3A_25 : vector<16x19xf32>
    %neg3A = arith.constant 0.000000e+00 : f32
    %neg3A_27 = vector.broadcast %neg3A : f32 to vector<16x19xf32>
    %neg3A_28 = arith.subf %neg3A_27, %logistic3A_23 : vector<16x19xf32>
    %log1p3A = math.log1p %neg3A_28 : vector<16x19xf32>
    %max3A_29 = arith.constant -1.000000e+02 : f32
    %max3A_30 = vector.broadcast %max3A_29 : f32 to vector<16x19xf32>
    %max3A_31 = arith.maximumf %log1p3A, %max3A_30 : vector<16x19xf32>
    %mul3A = arith.mulf %convert_element_type3A, %max3A_26 : vector<16x19xf32>
    %sub3A = arith.constant 1.000000e+00 : f32
    %sub3A_32 = vector.broadcast %sub3A : f32 to vector<16x19xf32>
    %sub3A_33 = arith.subf %sub3A_32, %convert_element_type3A : vector<16x19xf32>
    %mul3A_34 = arith.mulf %sub3A_33, %max3A_31 : vector<16x19xf32>
    %add3A = arith.addf %mul3A, %mul3A_34 : vector<16x19xf32>
    %reduce_sum3A = vector.shape_cast %add3A : vector<16x19xf32> to vector<1x16x19xf32>
    %reduce_sum3A_35 = arith.constant dense<0.000000e+00> : vector<1xf32>
    %reduce_sum3A_36 = vector.multi_reduction <add>, %reduce_sum3A, %reduce_sum3A_35 [1, 2] : vector<1x16x19xf32> to vector<1xf32>
    %reduce_sum3A_37 = vector.shape_cast %reduce_sum3A_36 : vector<1xf32> to vector<1x1x1xf32>
    %reduce_sum3A_38 = vector.extract %reduce_sum3A_37[0, 0, 0] : f32 from vector<1x1x1xf32>
    %div3A = arith.constant 3.040000e+02 : f32
    %div3A_39 = arith.divf %reduce_sum3A_38, %div3A : f32
    %neg3A_40 = arith.constant 0.000000e+00 : f32
    %neg3A_41 = arith.subf %neg3A_40, %div3A_39 : f32
    %reshape3A = vector.broadcast %neg3A_41 : f32 to vector<1x1xf32>
    %swap3A = arith.constant 0 : index
    %swap3A_42 = arith.constant 0 : index
    %swap3A_43 = vector.load %arg3[%swap3A, %swap3A_42] : memref<1x1xf32, #tpu.memory_space<vmem>>, vector<1x1xf32>
    tpu.vector_store %arg3[%swap3A, %swap3A_42], %reshape3A {strides = array<i32>} : memref<1x1xf32, #tpu.memory_space<vmem>>, vector<1x1xf32>,
    return
  }
}

</mosaic_0001>

<sc_bundles>
// kernel: kernel.5.cloned.1.call-start
scs
__scs_entry_jumppad:
0x0: {  	(pc) =	sbr.rel $0x88, $3  }
0x1: {  	(tag) =	ssettag $0x0;
	lr =	simm.s32 $0x1  }
0x2: {  	[smem:$0x3F9F] =	sst lr;
	_ =	strace $0xD0000000  }
0x3: {  	_ = 	snop  }
0x4: {  	_ = 	snop  }
0x5: {  	_ = 	snop  }
0x6: {  	_ = 	snop  }
0x7: {  	_ = 	snop  }
__scs_overlays_trampoline_lowered:
0x8: {  	[smem:$0x3FAE] =	sst s0  }
0x9: {  	[smem:$0x3FAF] =	sst s1  }
0xa: {  	[smem:$0x3FB0] =	sst s2  }
0xb: {  	[smem:$0x3FB1] =	sst s3  }
0xc: {  	[smem:$0x3FB2] =	sst s4  }
0xd: {  	[smem:$0x3FB3] =	sst s5  }
0xe: {  	[smem:$0x3FB4] =	sst s6  }
0xf: {  	[smem:$0x3FB5] =	sst s7  }
0x10: {  	[smem:$0x3FB6] =	sst s8  }
0x11: {  	[smem:$0x3FB7] =	sst s9;
	s0 =	simm.s32 @!p0 $0x0  }
0x12: {  	s1 =	sld [smem:$0x3F9D];
	s0 =	simm.s32 @p0 $0x1  }
0x13: {  	[smem:$0x3FB8] =	sst s0;
	s0 =	simm.s32 @!p1 $0x0  }
0x14: {  	s2 =	sld [smem:$0x3F9C];
	s0 =	simm.s32 @p1 $0x1  }
0x15: {  	[smem:$0x3FB9] =	sst s0;
	s0 =	simm.s32 @!p2 $0x0  }
0x16: {  	s3 =	sld [smem:$0x3FDB];
	s0 =	simm.s32 @p2 $0x1  }
0x17: {  	s4 =	simm.s32 $0x1BF5;
	[smem:$0x3FBB] =	sst s0  }
0x18: {  	s0 =	sld [smem:$0x3F9E];
	_ =	swait.ge [sflag:s4], $0x0  }
0x19: {  	s7 =	sld [smem:$0x3F9F]  }
0x1a: {  	s8 =	sadd.s32 $0xFFFFE003, lr  }
0x1b: {  	s9 =	sadd.s32 $0xFFFFFEF7, lr;
	s5 =	simm.s32 $0xFFFFFFFF;
	p2 =	slt.u32 s8, $0xFFFFF086  }
0x1c: {  	p1 =	slt.u32 s9, $0xF7A;
	s5 =	simm.s32 @!p2 $0x0  }
0x1d: {  	s5 =	simm.s32 @p1 $0x1;
	p0 =	seq.s32 s7, s2  }
0x1e: {  	s7 =	smul.u32 @!p0 $0xF7A, s2;
	p2 =	seq.s32 @!p0 s5, $0x0  }
0x1f: {  	s9 =	smul.u32 $0xF7A, s1;
	s8 =	simm.s32 @!p0 $0x1BF5;
	p2 =	por !p2, p0  }
0x20: {  	[sflag:s8] =	ssyncset.s32 @!p0 $0xFFFFF086;
	s6 =	sadd.s32 @!p0 s3, s7;
	s7 =	simm.s32 @!p0 $0x108  }
0x21: {  	s3 =	sadd.s32 s3, s9;
	s6 =	sadd.s32 @!p0 $0x88, s6;
	s7 =	simm.s32 @p2 $0x1082  }
0x22: {  	[simem:s7], [sflag:s8] =	dma.local @!p0 [hbm:s6], $0xF7A  }
0x23: {  	s9 =	sor.u32 $0xD0000000, s2;
	s6 =	simm.s32 $0x108;
	_ =	swait.ge @!p0 [sflag:s8], $0x0  }
0x24: {  	s3 =	sadd.s32 $0x88, s3;
	s6 =	simm.s32 @!p1 $0x1082;
	[sflag:s4] =	ssyncset.s32 $0xFFFFF086  }
0x25: {  	[simem:s6], [sflag:s4] =	dma.local [hbm:s3], $0xF7A  }
0x26: {  	[smem:$0x3F9F] =	sst s1;
	(tag) =	ssettag s2;
	_ =	strace s9  }
0x27: {  	s1 =	sld [smem:$0x3FAF]  }
0x28: {  	s2 =	sld [smem:$0x3FB0]  }
0x29: {  	s4 =	sld [smem:$0x3FB2]  }
0x2a: {  	p0 =	seq.s32 s5, $0x0;
	s5 =	sld [smem:$0x3FB3]  }
0x2b: {  	s6 =	sld [smem:$0x3FB4]  }
0x2c: {  	s7 =	sld [smem:$0x3FB5]  }
0x2d: {  	s3 =	simm.s32 $0x108;
	s8 =	sld [smem:$0x3FB6]  }
0x2e: {  	s3 =	simm.s32 @!p0 $0x1082;
	s9 =	sld [smem:$0x3FB7]  }
0x2f: {  	lr =	sadd.s32 s0, s3;
	s0 =	sld [smem:$0x3FAE]  }
0x30: {  	s3 =	sld [smem:$0x3FB1]  }
0x31: {  	[smem:$0x3FBA] =	sst s10  }
0x32: {  	s10 =	sld [smem:$0x3FB8];
	_ =	sdelay $0x3  }
0x33: {  	p0 =	seq.s32 s10, $0x1;
	s10 =	sld [smem:$0x3FBA];
	_ =	sdelay $0x3  }
0x34: {  	[smem:$0x3FBA] =	sst s10  }
0x35: {  	s10 =	sld [smem:$0x3FB9];
	_ =	sdelay $0x3  }
0x36: {  	p1 =	seq.s32 s10, $0x1;
	s10 =	sld [smem:$0x3FBA];
	_ =	sdelay $0x3  }
0x37: {  	[smem:$0x3FBA] =	sst s10  }
0x38: {  	s10 =	sld [smem:$0x3FBB]  }
0x39: {  	_ = 	snop;
	(pc) =	sbr.ind lr, $3  }
0x3a: {  	_ = 	snop  }
0x3b: {  	_ = 	snop  }
0x3c: {  	p2 =	seq.s32 s10, $0x1;
	s10 =	sld [smem:$0x3FBA]  }
0x3d: {  	_ =	shalt  }
0x3e: {  	_ =	shalt  }
0x3f: {  	_ =	shalt  }
0x40: {  	_ =	shalt  }
0x41: {  	_ =	shalt  }
0x42: {  	_ =	shalt  }
0x43: {  	_ =	shalt  }
0x44: {  	_ =	shalt  }
0x45: {  	_ =	shalt  }
0x46: {  	_ =	shalt  }
0x47: {  	_ =	shalt  }
0x48: {  	_ =	shalt  }
0x49: {  	_ =	shalt  }
0x4a: {  	_ =	shalt  }
0x4b: {  	_ =	shalt  }
0x4c: {  	_ =	shalt  }
0x4d: {  	_ =	shalt  }
0x4e: {  	_ =	shalt  }
0x4f: {  	_ =	shalt  }
0x50: {  	_ =	shalt  }
0x51: {  	_ =	shalt  }
0x52: {  	_ =	shalt  }
0x53: {  	_ =	shalt  }
0x54: {  	_ =	shalt  }
0x55: {  	_ =	shalt  }
0x56: {  	_ =	shalt  }
0x57: {  	_ =	shalt  }
0x58: {  	_ =	shalt  }
0x59: {  	_ =	shalt  }
0x5a: {  	_ =	shalt  }
0x5b: {  	_ =	shalt  }
0x5c: {  	_ =	shalt  }
0x5d: {  	_ =	shalt  }
0x5e: {  	_ =	shalt  }
0x5f: {  	_ =	shalt  }
0x60: {  	_ =	shalt  }
0x61: {  	_ =	shalt  }
0x62: {  	_ =	shalt  }
0x63: {  	_ =	shalt  }
0x64: {  	_ =	shalt  }
0x65: {  	_ =	shalt  }
0x66: {  	_ =	shalt  }
0x67: {  	_ =	shalt  }
0x68: {  	_ =	shalt  }
0x69: {  	_ =	shalt  }
0x6a: {  	_ =	shalt  }
0x6b: {  	_ =	shalt  }
0x6c: {  	_ =	shalt  }
0x6d: {  	_ =	shalt  }
0x6e: {  	_ =	shalt  }
0x6f: {  	_ =	shalt  }
0x70: {  	_ =	shalt  }
0x71: {  	_ =	shalt  }
0x72: {  	_ =	shalt  }
0x73: {  	_ =	shalt  }
0x74: {  	_ =	shalt  }
0x75: {  	_ =	shalt  }
0x76: {  	_ =	shalt  }
0x77: {  	_ =	shalt  }
0x78: {  	_ =	shalt  }
0x79: {  	_ =	shalt  }
0x7a: {  	_ =	shalt  }
0x7b: {  	_ =	shalt  }
0x7c: {  	_ =	shalt  }
0x7d: {  	_ =	shalt  }
0x7e: {  	_ =	shalt  }
0x7f: {  	_ =	shalt  }
0x80: {  	_ =	shalt  }
0x81: {  	_ =	shalt  }
0x82: {  	_ =	shalt  }
0x83: {  	_ =	shalt  }
0x84: {  	_ =	shalt  }
0x85: {  	_ =	shalt  }
0x86: {  	_ =	shalt  }
0x87: {  	_ =	shalt  }
.Lfunc_end0:
.L_simem_size_0:
called_computation_lowered:
.L_overlay_start_0:
0x88: {  	s2 =	sld [smem:$0x3FD9]  }
0x89: {  	s3 =	sld [smem:$0x3FFE];
	_ =	sdelay $0x1  }
0x8a: {  	s1 =	srdreg.scid  }
0x8b: {  	s0 =	sand.u32 $0x1, s1  }
0x8c: {  	s17 =	sshll.u32 s0, $0xA;
	s2 =	sadd.s32 s3, s2  }
0x8d: {  	s2 =	sadd.s32 s2, s17  }
0x8e: {  	[smem:$0x3FC6] =	sst s2  }
0x8f: {  	_ = 	snop  }
0x90: {  	s2 =	sld [smem:$0x3FC8];
	(tm) =	ssettm $0x1  }
0x91: {  	s18 =	sld [smem:$0x3FFB];
	_ =	sdelay $0x3  }
0x92: {  	_ =	strace s18  }
0x93: {  	s3 =	sld [smem:$0x3FFC];
	_ =	sdelay $0x3  }
0x94: {  	_ =	strace s3  }
0x95: {  	s3 =	sld [smem:$0x3FFD];
	_ =	sdelay $0x3  }
0x96: {  	_ =	strace s3  }
0x97: {  	_ =	strace $0x8FFFFFFF  }
0x98: {  	s19 =	sld [smem:$0x3FDB];
	_ =	sdelay $0x1  }
0x99: {  	s4 =	simm.s32 $_scs_section_size  }
0x9a: {  	s5 =	simm.s32 $_size__tile_overlayer_lowered;
	s6 =	simm.s32 $_tile_overlayer_lowered  }
0x9b: {  	s22 =	simm.s32 $0x1BFF;
	s21 =	sshll.u32 s6, $0x1;
	s3 =	sadd.s32 s4, s19  }
0x9c: {  	s7 =	simm.s32 $0x0;
	s20 =	sshll.u32 s5, $0x1;
	s5 =	sadd.s32 s21, s3  }
0x9d: {  	[timem:s7], [sflag:s22] =	dma.local [hbm:s5], s20  }
0x9e: {  	_ =	swait.ge [sflag:s22], s20  }
0x9f: {  	s4 =	ssub.s32 $0x0, s20;
	[sflag:s22] =	ssyncset.done $0x0  }
0xa0: {  	[sflag:s22] =	ssyncadd.s32 s4;
	_ =	sdelay $0x1  }
0xa1: {  	s23 =	simm.s32 $0x1B8B  }
0xa2: {  	_ =	swait.ge [sflag:s23], $0x1  }
0xa3: {  	[sflag:s23] =	ssyncset.done $0x0  }
0xa4: {  	s25 =	simm.s32 $0x1B8E;
	s24 =	sld [smem:$0x3FFE];
	[sflag:s23] =	ssyncadd.s32 $0xFFFFFFFF  }
0xa5: {  	s26 =	simm.s32 $execute0_lowered;
	[smem:$0x3FD2] =	sst s25  }
0xa6: {  	s5 =	sshll.u32 s26, $0x1;
	_ =	strace $0x80000046;
	[dreg:$0x1] =	wrdreg $0xFFFFFFFF  }
0xa7: {  	s28 =	simm.s32 $_size_execute0_lowered;
	s3 =	sadd.s32 s3, s5;
	[dreg:$0x0] =	wrdreg $0x0  }
0xa8: {  	s5 =	sshll.u32 s28, $0x1;
	[dreg:$0x2] =	wrdreg s3  }
0xa9: {  	[dreg:$0x3] =	wrdreg s5  }
0xaa: {  	[dreg:$0x4] =	wrdreg $0xC0  }
0xab: {  	_ =	task [dreg:s7], $0x5FFFF  }
0xac: {  	[dreg:$0x1] =	wrdreg $0xFFFFFFFF  }
0xad: {  	[dreg:$0x0] =	wrdreg $0x60  }
0xae: {  	[dreg:$0x2] =	wrdreg s2  }
0xaf: {  	[dreg:$0x3] =	wrdreg s24  }
0xb0: {  	[dreg:$0x4] =	wrdreg $0x9  }
0xb1: {  	_ =	task.clear_ibuf [dreg:s7], $0x5FFFF;
	_ =	strace $0x90000046  }
0xb2: {  	s29 =	simm.s32 $0x9;
	_ =	strace $0x80000048  }
0xb3: {  	_ =	swait.ge [sflag:s29], $0x1  }
0xb4: {  	[sflag:s29] =	ssyncadd.s32 $0xFFFFFFFF  }
0xb5: {  	_ =	strace $0x90000048  }
0xb6: {  	_ =	sfence  }
0xb7: {  	s30 =	sld [smem:$0x0];
	_ =	sdelay $0x2  }
0xb8: {  	s31 =	sshll.u32 s1, $0xD;
	s1 =	sshrl.u32 s1, $0x2  }
0xb9: {  	s3 =	sand.u32 $0x4000, s31;
	s1 =	sadd.s32 s1, s30  }
0xba: {  	s0 =	sor.u32 s3, s0;
	s1 =	sshll.u32 s1, $0x11  }
0xbb: {  	s0 =	sor.u32 s1, s0  }
0xbc: {  	s0 =	sadd.s32 $0x8F2B, s0  }
0xbd: {  	[sflag:s0] =	ssyncadd.remote.s32 $0x1  }
0xbe: {  	_ =	sfence.sel $0xFFFF  }
0xbf: {  	[dreg:$0x0] =	wrdreg $0xFFFFFFFF;
	(pc) =	sbr.abs _section_cstart, $3  }
0xc0: {  	[dreg:$0x1] =	wrdreg $0xFFFFFFFF  }
0xc1: {  	_ =	task.clear_ibuf [dreg:s7], $0x2FFFF;
	_ =	strace $0x9FFFFFFF  }
0xc2: {  	(tm) =	ssettm $0x7FFFFFFF  }
0xc3: {  	_ =	shalt  }
tec
execute0_lowered:
.L_overlay_start_1:
0x0: {  	(tag) =	ssettag $0x1  }
0x1: {  	s5 =	rddreg [dreg:$0x0]  }
0x2: {  	s3 =	rddreg [dreg:$0x1]  }
0x3: {  	s0 =	rddreg [dreg:$0x2]  }
0x4: {  	s1 =	stileid.u32;
	s2 =	simm.s32 $0x0;
	s4 =	srdreg.scid  }
0x5: {  	s12 =	simm.s32 $0x3;
	s13 =	simm.s32 $0xC000;
	s14 =	simm.s32 $0x4  }
0x6: {  	s15 =	simm.s32 $0x0;
	s6 =	sshll.u32 s1, $0x1;
	s4 =	sand.u32 $0x1, s4  }
0x7: {  	s7 =	sshrl.u32 s1, $0x3;
	[smem:$0x7FF] =	sst s2;
	s10 =	sshll.u32 s1, $0x5  }
0x8: {  	s6 =	sand.u32 $0xE, s6;
	s8 =	smul.u32 $0xC000, s7;
	_ =	strace $0x80000047  }
0x9: {  	s29 =	sand.u32 $0x80, s10;
	s6 =	sor.u32 s4, s6;
	s4 =	ssub.s32 $0x2, s4  }
0xa: {  	s7 =	sshll.u32 s7, $0x8;
	s9 =	sshll.u32 s6, $0x12;
	s30 =	sshrl.u32 s4, $0x1  }
0xb: {  	s6 =	sshll.u32 s6, $0x4;
	s8 =	sor.u32 s8, s9;
	s9 =	sadd.s32 s29, s3  }
0xc: {  	s10 =	ssub.s32 s4, s30;
	s6 =	sand.u32 $0x70, s6;
	s11 =	sshrl.u32 s8, $0x3  }
0xd: {  	s31 =	sadd.s32 $0x4000, s8;
	s8 =	sadd.s32 $0x8000, s8;
	s7 =	sadd.s32 s7, s9  }
0xe: {  	s9 =	simm.s32 $0x8000;
	s3 =	sadd.s32 s5, s11;
	s4 =	sshrl.u32 s31, $0x3  }
0xf: {  	s8 =	sshrl.u32 s8, $0x3;
	s6 =	sadd.s32 s6, s7;
	s7 =	smax.u32 s10, $0x1  }
0x10: {  	s10 =	simm.s32 $0x1;
	s11 =	simm.s32 $0x2;
	s4 =	sadd.s32 s5, s4  }
0x11: {  	v0 =	vimm.s32 $0x1;
	s5 =	sadd.s32 s5, s8;
	s6 =	sadd.s32 $0xA00, s6;
	s8 =	simm.s32 $0x4000  }
.LBB2_1:
0x12: {  	[tilespmem:s2], [sflag:$0x1] =	stream.linear.gather [hbm4b:s3+s2], $0x4000, $0x38;
	[tilespmem:$0xC080] =	vst v63  }
0x13: {  	_ = 	snop  }
0x14: {  	[tilespmem:s8], [sflag:$0x2] =	stream.linear.gather [hbm4b:s4+s2], $0x4000, $0x38;
	[tilespmem:$0xC080] =	vst v63  }
0x15: {  	_ = 	snop  }
0x16: {  	[tilespmem:s9], [sflag:$0x3] =	stream.linear.gather [hbm4b:s5+s2], $0x4000, $0x38;
	[tilespmem:$0xC080] =	vst v63  }
0x17: {  	_ =	swait.ge [sflag:s10], $0x4000  }
0x18: {  	s16 =	sand.u32 $0x3000, s2;
	s17 =	sand.u32 $0x380, s2;
	[sflag:s10] =	ssyncset.done $0x0  }
0x19: {  	s16 =	sor.u32 s17, s16;
	[sflag:s10] =	ssyncadd.s32 $0xFFFFC000  }
0x1a: {  	v6 =	vld [tilespmem:s16+$0x800]  }
0x1b: {  	v9 =	vld [tilespmem:s16+$0x850]  }
0x1c: {  	v10 =	vld [tilespmem:s16+$0x840]  }
0x1d: {  	v8 =	vld [tilespmem:s16+$0x830]  }
0x1e: {  	v7 =	vld [tilespmem:s16+$0x810]  }
0x1f: {  	v2 =	vld [tilespmem:s16+$0x400]  }
0x20: {  	v3 =	vld [tilespmem:s16+$0x70]  }
0x21: {  	v4 =	vld [tilespmem:s16+$0x470]  }
0x22: {  	v11 =	vld [tilespmem:s16+$0x460]  }
0x23: {  	v12 =	vld [tilespmem:s16+$0x450]  }
0x24: {  	v13 =	vld [tilespmem:s16+$0x440]  }
0x25: {  	v14 =	vld [tilespmem:s16+$0x430]  }
0x26: {  	v15 =	vld [tilespmem:s16+$0x420]  }
0x27: {  	v16 =	vld [tilespmem:s16+$0x0]  }
0x28: {  	v17 =	vld [tilespmem:s16+$0x60]  }
0x29: {  	v18 =	vld [tilespmem:s16+$0x50]  }
0x2a: {  	v20 =	vld [tilespmem:s16+$0x40]  }
0x2b: {  	v1 =	vimm.s32 $0x0;
	v5 =	vld [tilespmem:s16+$0x820];
	v19 =	vshll.u32 v0, v3  }
0x2c: {  	v27 =	vld [tilespmem:s16+$0x10];
	v21 =	vshll.u32 v0, v2;
	v24 =	vshll.u32 v0, v13;
	v3 =	vshll.u32 v0, v14  }
0x2d: {  	v23 =	vld [tilespmem:s16+$0x410];
	v2 =	vshll.u32 v0, v11;
	v11 =	vshll.u32 v0, v16;
	v12 =	vshll.u32 v0, v12  }
0x2e: {  	v13 =	vld [tilespmem:s16+$0x20];
	v26 =	vshll.u32 v0, v4;
	v17 =	vshll.u32 v0, v17;
	v4 =	vshll.u32 v0, v15  }
0x2f: {  	v28 =	vld [tilespmem:s16+$0x870];
	v15 =	vshll.u32 v0, v18;
	v14 =	vshll.u32 v0, v7;
	v16 =	vshll.u32 v0, v20  }
0x30: {  	v18 =	vld [tilespmem:s16+$0x860];
	v5 =	vshll.u32 v0, v5;
	v8 =	vshll.u32 v0, v8;
	v22 =	vshll.u32 v0, v10  }
0x31: {  	v30 =	vshll.u32 v0, v9;
	v27 =	vshll.u32 v0, v27;
	v25 =	vor.u32 v1, v19;
	v19 =	vld [tilespmem:s16+$0x30]  }
0x32: {  	v10 =	vld [tilespmem:s16+$0xC40];
	v11 =	vor.u32 v1, v11;
	v15 =	vor.u32 v1, v15;
	v20 =	vor.u32 v1, v16  }
0x33: {  	v7 =	vor.u32 v21, v11;
	v11 =	vld [tilespmem:s16+$0xC00];
	v29 =	vor.u32 v12, v15;
	v16 =	vshll.u32 v0, v13  }
0x34: {  	v12 =	vld [tilespmem:s16+$0xC70];
	v13 =	vor.u32 v1, v17;
	v17 =	vshll.u32 v0, v23;
	v23 =	vor.u32 v24, v20  }
0x35: {  	v15 =	vld [tilespmem:s16+$0xC10];
	v9 =	vshll.u32 v0, v18;
	v24 =	vor.u32 v26, v25;
	v25 =	vshll.u32 v0, v28  }
0x36: {  	v20 =	vld [tilespmem:s16+$0xC20];
	v21 =	vshll.u32 v0, v19;
	v19 =	vshll.u32 v0, v6;
	v6 =	vor.u32 v1, v27  }
0x37: {  	s19 =	simm.s32 $0x200;
	s17 =	simm.s32 $0x80;
	v18 =	vld [tilespmem:s16+$0xC30];
	v26 =	vor.u32 v17, v6;
	v17 =	vor.u32 v30, v29;
	v6 =	vimm.s32 $0x0  }
.LBB2_2:
0x38: {  	s18 =	smov.u32 s19  }
0x39: {  	s20 =	sand.u32 $0x3000, s19;
	s21 =	sand.u32 $0x380, s17;
	v14 =	vor.u32 v14, v26;
	v22 =	vor.u32 v22, v23;
	v23 =	vld [tilespmem:s16+$0xC50];
	v24 =	vor.u32 v25, v24;
	s18 =	sadd.s32 $0x200, s19  }
0x3a: {  	p0 =	sne.s32 s19, $0x3E00;
	v11 =	vshll.u32 v0, v11;
	v1 =	vor.u32 v1, v16;
	v6 =	vor.u32 v6, v21;
	v16 =	vld [tilespmem:s16+$0xC60];
	s16 =	sor.u32 s21, s20  }
0x3b: {  	v10 =	vshll.u32 v0, v10;
	v3 =	vor.u32 v3, v6;
	v15 =	vshll.u32 v0, v15;
	v25 =	vld [tilespmem:s16+$0x800]  }
0x3c: {  	v7 =	vor.u32 v19, v7;
	v1 =	vor.u32 v4, v1;
	v4 =	vshll.u32 v0, v12;
	v26 =	vld [tilespmem:s16+$0x850]  }
0x3d: {  	v2 =	vor.u32 v2, v13;
	v3 =	vor.u32 v8, v3;
	v6 =	vshll.u32 v0, v20;
	v12 =	vld [tilespmem:s16+$0x840]  }
0x3e: {  	v1 =	vor.u32 v5, v1;
	v5 =	vshll.u32 v0, v18;
	v13 =	vshll.u32 v0, v23;
	v8 =	vld [tilespmem:s16+$0x830]  }
0x3f: {  	v1 =	vor.u32 v6, v1;
	v13 =	vor.u32 v13, v17;
	v18 =	vld [tilespmem:s16+$0x820];
	v16 =	vshll.u32 v0, v16  }
0x40: {  	v2 =	vor.u32 v9, v2;
	v4 =	vor.u32 v4, v24;
	v6 =	vor.u32 v5, v3;
	v17 =	vld [tilespmem:s16+$0x810]  }
0x41: {  	v9 =	vor.u32 v10, v22;
	v20 =	vor.u32 v15, v14;
	v5 =	vor.u32 v11, v7;
	v3 =	vld [tilespmem:s16+$0x400]  }
0x42: {  	v15 =	vor.u32 v16, v2;
	v7 =	vld [tilespmem:s16+$0x70]  }
0x43: {  	v10 =	vld [tilespmem:s16+$0x470]  }
0x44: {  	v2 =	vld [tilespmem:s16+$0x460]  }
0x45: {  	v11 =	vld [tilespmem:s16+$0x450]  }
0x46: {  	v14 =	vld [tilespmem:s16+$0x440]  }
0x47: {  	v7 =	vshll.u32 v0, v7;
	v16 =	vld [tilespmem:s16+$0x430]  }
0x48: {  	v19 =	vld [tilespmem:s16+$0x420]  }
0x49: {  	v23 =	vld [tilespmem:s16+$0x410]  }
0x4a: {  	v21 =	vld [tilespmem:s16+$0x0]  }
0x4b: {  	v24 =	vshll.u32 v0, v3;
	v22 =	vld [tilespmem:s16+$0x60]  }
0x4c: {  	v28 =	vshll.u32 v0, v14;
	v27 =	vld [tilespmem:s16+$0x50]  }
0x4d: {  	v29 =	vld [tilespmem:s16+$0x40]  }
0x4e: {  	v31 =	vor.u32 v4, v7;
	v2 =	vshll.u32 v0, v2;
	v3 =	vshll.u32 v0, v16;
	v30 =	vld [tilespmem:s16+$0x30]  }
0x4f: {  	v32 =	vshll.u32 v0, v10;
	v7 =	vshll.u32 v0, v21;
	v16 =	vld [tilespmem:s16+$0x20];
	v21 =	vshll.u32 v0, v11  }
0x50: {  	v4 =	vshll.u32 v0, v19;
	v33 =	vld [tilespmem:s16+$0x10];
	v34 =	vshll.u32 v0, v22;
	v5 =	vor.u32 v5, v7  }
0x51: {  	v14 =	vshll.u32 v0, v17;
	v10 =	vshll.u32 v0, v27;
	v17 =	vld [tilespmem:s16+$0x860];
	v7 =	vor.u32 v24, v5  }
0x52: {  	v5 =	vshll.u32 v0, v18;
	v19 =	vshll.u32 v0, v29;
	v18 =	vld [tilespmem:s16+$0x870];
	v10 =	vor.u32 v13, v10  }
0x53: {  	v8 =	vshll.u32 v0, v8;
	v11 =	vld [tilespmem:s16+$0xC00];
	v9 =	vor.u32 v9, v19;
	v27 =	vor.u32 v21, v10  }
.Ltmp0:
0x54: {  	v22 =	vshll.u32 v0, v12;
	v13 =	vor.u32 v15, v34;
	v16 =	vshll.u32 v0, v16;
	v10 =	vld [tilespmem:s16+$0xC40];
	(pc) =	sbr.rel @p0 .LBB2_2-.Ltmp0, $4  }
0x55: {  	v29 =	vshll.u32 v0, v23;
	v21 =	vshll.u32 v0, v30;
	v30 =	vshll.u32 v0, v26;
	v12 =	vld [tilespmem:s16+$0xC70]  }
0x56: {  	v19 =	vshll.u32 v0, v25;
	v23 =	vor.u32 v28, v9;
	v24 =	vshll.u32 v0, v33;
	v15 =	vld [tilespmem:s16+$0xC10]  }
0x57: {  	v9 =	vshll.u32 v0, v17;
	v17 =	vor.u32 v20, v24;
	v24 =	vor.u32 v32, v31;
	v20 =	vld [tilespmem:s16+$0xC20]  }
0x58: {  	s17 =	sadd.s32 $0x80, s17;
	s19 =	smov.u32 s18;
	v25 =	vshll.u32 v0, v18;
	v26 =	vor.u32 v29, v17;
	v17 =	vor.u32 v30, v27;
	v18 =	vld [tilespmem:s16+$0xC30]  }
0x59: {  	v27 =	vld [tilespmem:s16+$0xC50]  }
0x5a: {  	v28 =	vld [tilespmem:s16+$0xC60];
	_ =	swait.ge [sflag:s11], $0x4000;
	s31 =	simm.s32 $0x0  }
0x5b: {  	[sflag:s11] =	ssyncset.done $0x0;
	s17 =	sand.u32 $0x3000, s31;
	s16 =	sand.u32 $0x380, s31  }
0x5c: {  	[sflag:s11] =	ssyncadd.s32 $0xFFFFC000;
	s16 =	sor.u32 s16, s17  }
0x5d: {  	v29 =	vld [tilespmem:s16+$0x4800]  }
0x5e: {  	v30 =	vld [tilespmem:s16+$0x4850]  }
0x5f: {  	v31 =	vld [tilespmem:s16+$0x4840]  }
0x60: {  	v32 =	vld [tilespmem:s16+$0x4830]  }
0x61: {  	v33 =	vld [tilespmem:s16+$0x4820]  }
0x62: {  	v34 =	vld [tilespmem:s16+$0x4810]  }
0x63: {  	v35 =	vld [tilespmem:s16+$0x4400]  }
0x64: {  	v36 =	vld [tilespmem:s16+$0x4070]  }
0x65: {  	v14 =	vor.u32 v14, v26;
	v26 =	vld [tilespmem:s16+$0x4470]  }
0x66: {  	v22 =	vor.u32 v22, v23;
	v23 =	vor.u32 v25, v24;
	v6 =	vor.u32 v6, v21;
	v21 =	vld [tilespmem:s16+$0x4460]  }
0x67: {  	v1 =	vor.u32 v1, v16;
	v3 =	vor.u32 v3, v6;
	v6 =	vor.u32 v19, v7;
	v7 =	vld [tilespmem:s16+$0x4450]  }
0x68: {  	v11 =	vshll.u32 v0, v11;
	v1 =	vor.u32 v4, v1;
	v3 =	vor.u32 v8, v3;
	v8 =	vld [tilespmem:s16+$0x4440]  }
0x69: {  	v4 =	vor.u32 v2, v13;
	v1 =	vor.u32 v5, v1;
	v15 =	vshll.u32 v0, v15;
	v13 =	vld [tilespmem:s16+$0x4430]  }
0x6a: {  	v4 =	vor.u32 v9, v4;
	v6 =	vor.u32 v11, v6;
	v2 =	vshll.u32 v0, v20;
	v9 =	vld [tilespmem:s16+$0x4000]  }
0x6b: {  	v11 =	vld [tilespmem:s16+$0x4060];
	v1 =	vor.u32 v2, v1;
	v2 =	vshll.u32 v0, v18;
	v18 =	vor.u32 v15, v14  }
0x6c: {  	v24 =	vld [tilespmem:s16+$0x4030];
	v5 =	vshll.u32 v0, v27;
	v2 =	vor.u32 v2, v3;
	v3 =	vshll.u32 v0, v10  }
0x6d: {  	v14 =	vld [tilespmem:s16+$0x4050];
	v10 =	vshll.u32 v0, v12;
	v12 =	vshll.u32 v0, v28;
	v16 =	vor.u32 v5, v17  }
0x6e: {  	v27 =	vld [tilespmem:s16+$0x4860];
	v10 =	vor.u32 v10, v23;
	v15 =	vor.u32 v3, v22;
	v12 =	vor.u32 v12, v4  }
0x6f: {  	v5 =	vld [tilespmem:s16+$0x4420];
	v19 =	vshll.u32 v0, v36;
	v20 =	vshll.u32 v0, v35;
	v23 =	vshll.u32 v0, v8  }
0x70: {  	v17 =	vld [tilespmem:s16+$0x4410];
	v4 =	vshll.u32 v0, v13;
	v3 =	vshll.u32 v0, v21;
	v9 =	vshll.u32 v0, v9  }
0x71: {  	v8 =	vld [tilespmem:s16+$0x4040];
	v13 =	vshll.u32 v0, v7;
	v26 =	vshll.u32 v0, v26;
	v21 =	vshll.u32 v0, v11  }
0x72: {  	v22 =	vshll.u32 v0, v31;
	v30 =	vshll.u32 v0, v30;
	v25 =	vor.u32 v10, v19;
	v10 =	vld [tilespmem:s16+$0x4020]  }
0x73: {  	v19 =	vld [tilespmem:s16+$0x4010];
	v6 =	vor.u32 v6, v9;
	v9 =	vshll.u32 v0, v14;
	v14 =	vshll.u32 v0, v34  }
0x74: {  	v62 =	vld [tilespmem:s16+$0x4870];
	v7 =	vor.u32 v20, v6;
	v6 =	vshll.u32 v0, v33;
	v9 =	vor.u32 v16, v9  }
0x75: {  	v11 =	vld [tilespmem:s16+$0x4C00];
	v5 =	vshll.u32 v0, v5;
	v63 =	vor.u32 v13, v9;
	v13 =	vor.u32 v12, v21  }
0x76: {  	v21 =	vshll.u32 v0, v24;
	v17 =	vshll.u32 v0, v17;
	v12 =	vld [tilespmem:s16+$0x4C70];
	v9 =	vshll.u32 v0, v27  }
0x77: {  	v20 =	vshll.u32 v0, v8;
	v8 =	vshll.u32 v0, v32;
	v16 =	vshll.u32 v0, v10;
	v10 =	vld [tilespmem:s16+$0x4C40]  }
0x78: {  	v20 =	vor.u32 v15, v20;
	v24 =	vshll.u32 v0, v19;
	v19 =	vshll.u32 v0, v29;
	v15 =	vld [tilespmem:s16+$0x4C10]  }
0x79: {  	v23 =	vor.u32 v23, v20;
	v18 =	vor.u32 v18, v24;
	v20 =	vld [tilespmem:s16+$0x4C20];
	v24 =	vor.u32 v26, v25  }
0x7a: {  	s19 =	simm.s32 $0x200;
	s17 =	simm.s32 $0x80;
	v25 =	vshll.u32 v0, v62;
	v26 =	vor.u32 v17, v18;
	v18 =	vld [tilespmem:s16+$0x4C30];
	v17 =	vor.u32 v30, v63  }
.LBB2_4:
0x7b: {  	s18 =	smov.u32 s19  }
0x7c: {  	s20 =	sand.u32 $0x3000, s19;
	s21 =	sand.u32 $0x380, s17;
	v14 =	vor.u32 v14, v26;
	v22 =	vor.u32 v22, v23;
	v23 =	vld [tilespmem:s16+$0x4C50];
	v24 =	vor.u32 v25, v24;
	s18 =	sadd.s32 $0x200, s19  }
0x7d: {  	p0 =	sne.s32 s19, $0x3E00;
	v11 =	vshll.u32 v0, v11;
	v1 =	vor.u32 v1, v16;
	v2 =	vor.u32 v2, v21;
	v16 =	vld [tilespmem:s16+$0x4C60];
	s16 =	sor.u32 s21, s20  }
0x7e: {  	v2 =	vor.u32 v4, v2;
	v4 =	vshll.u32 v0, v10;
	v15 =	vshll.u32 v0, v15;
	v25 =	vld [tilespmem:s16+$0x4800]  }
0x7f: {  	v7 =	vor.u32 v19, v7;
	v1 =	vor.u32 v5, v1;
	v5 =	vshll.u32 v0, v12;
	v26 =	vld [tilespmem:s16+$0x4850]  }
0x80: {  	v3 =	vor.u32 v3, v13;
	v2 =	vor.u32 v8, v2;
	v12 =	vshll.u32 v0, v20;
	v10 =	vld [tilespmem:s16+$0x4840]  }
0x81: {  	v1 =	vor.u32 v6, v1;
	v6 =	vshll.u32 v0, v18;
	v13 =	vshll.u32 v0, v23;
	v8 =	vld [tilespmem:s16+$0x4830]  }
0x82: {  	v1 =	vor.u32 v12, v1;
	v12 =	vor.u32 v13, v17;
	v18 =	vld [tilespmem:s16+$0x4820];
	v13 =	vshll.u32 v0, v16  }
0x83: {  	v3 =	vor.u32 v9, v3;
	v5 =	vor.u32 v5, v24;
	v2 =	vor.u32 v6, v2;
	v16 =	vld [tilespmem:s16+$0x4810]  }
0x84: {  	v7 =	vor.u32 v11, v7;
	v9 =	vor.u32 v4, v22;
	v17 =	vor.u32 v15, v14;
	v6 =	vld [tilespmem:s16+$0x4400]  }
0x85: {  	v13 =	vor.u32 v13, v3;
	v4 =	vld [tilespmem:s16+$0x4070]  }
0x86: {  	v11 =	vld [tilespmem:s16+$0x4470]  }
0x87: {  	v3 =	vld [tilespmem:s16+$0x4460]  }
0x88: {  	v14 =	vld [tilespmem:s16+$0x4450]  }
0x89: {  	v15 =	vld [tilespmem:s16+$0x4440]  }
0x8a: {  	v19 =	vshll.u32 v0, v4;
	v4 =	vld [tilespmem:s16+$0x4430]  }
0x8b: {  	v20 =	vld [tilespmem:s16+$0x4420]  }
0x8c: {  	v23 =	vld [tilespmem:s16+$0x4410]  }
0x8d: {  	v21 =	vld [tilespmem:s16+$0x4000]  }
0x8e: {  	v6 =	vshll.u32 v0, v6;
	v22 =	vld [tilespmem:s16+$0x4060]  }
0x8f: {  	v27 =	vshll.u32 v0, v15;
	v24 =	vld [tilespmem:s16+$0x4050]  }
0x90: {  	v15 =	vld [tilespmem:s16+$0x4040]  }
0x91: {  	v29 =	vor.u32 v5, v19;
	v3 =	vshll.u32 v0, v3;
	v4 =	vshll.u32 v0, v4;
	v28 =	vld [tilespmem:s16+$0x4030]  }
0x92: {  	v31 =	vshll.u32 v0, v11;
	v30 =	vshll.u32 v0, v14;
	v19 =	vshll.u32 v0, v21;
	v21 =	vld [tilespmem:s16+$0x4020]  }
0x93: {  	v5 =	vshll.u32 v0, v20;
	v32 =	vld [tilespmem:s16+$0x4010];
	v33 =	vshll.u32 v0, v22;
	v7 =	vor.u32 v7, v19  }
0x94: {  	v14 =	vshll.u32 v0, v16;
	v11 =	vshll.u32 v0, v24;
	v20 =	vld [tilespmem:s16+$0x4860];
	v7 =	vor.u32 v6, v7  }
0x95: {  	v6 =	vshll.u32 v0, v18;
	v15 =	vshll.u32 v0, v15;
	v18 =	vld [tilespmem:s16+$0x4870];
	v12 =	vor.u32 v12, v11  }
0x96: {  	v8 =	vshll.u32 v0, v8;
	v11 =	vld [tilespmem:s16+$0x4C00];
	v9 =	vor.u32 v9, v15;
	v30 =	vor.u32 v30, v12  }
.Ltmp1:
0x97: {  	v22 =	vshll.u32 v0, v10;
	v13 =	vor.u32 v13, v33;
	v16 =	vshll.u32 v0, v21;
	v10 =	vld [tilespmem:s16+$0x4C40];
	(pc) =	sbr.rel @p0 .LBB2_4-.Ltmp1, $4  }
0x98: {  	v33 =	vshll.u32 v0, v26;
	v21 =	vshll.u32 v0, v28;
	v28 =	vshll.u32 v0, v23;
	v12 =	vld [tilespmem:s16+$0x4C70]  }
0x99: {  	v19 =	vshll.u32 v0, v25;
	v23 =	vor.u32 v27, v9;
	v24 =	vshll.u32 v0, v32;
	v15 =	vld [tilespmem:s16+$0x4C10]  }
0x9a: {  	v9 =	vshll.u32 v0, v20;
	v17 =	vor.u32 v17, v24;
	v24 =	vor.u32 v31, v29;
	v20 =	vld [tilespmem:s16+$0x4C20]  }
0x9b: {  	s17 =	sadd.s32 $0x80, s17;
	s19 =	smov.u32 s18;
	v25 =	vshll.u32 v0, v18;
	v26 =	vor.u32 v28, v17;
	v17 =	vor.u32 v33, v30;
	v18 =	vld [tilespmem:s16+$0x4C30]  }
0x9c: {  	v27 =	vld [tilespmem:s16+$0x4C50]  }
0x9d: {  	v28 =	vld [tilespmem:s16+$0x4C60];
	_ =	swait.ge [sflag:s12], $0x4000;
	s31 =	simm.s32 $0x0  }
0x9e: {  	[sflag:s12] =	ssyncset.done $0x0;
	s17 =	sand.u32 $0x3000, s31;
	s16 =	sand.u32 $0x380, s31  }
0x9f: {  	[sflag:s12] =	ssyncadd.s32 $0xFFFFC000;
	s16 =	sor.u32 s16, s17  }
0xa0: {  	v29 =	vld [tilespmem:s16+$0x8800]  }
0xa1: {  	v30 =	vld [tilespmem:s16+$0x8850]  }
0xa2: {  	v31 =	vld [tilespmem:s16+$0x8840]  }
0xa3: {  	v32 =	vld [tilespmem:s16+$0x8830]  }
0xa4: {  	v33 =	vld [tilespmem:s16+$0x8820]  }
0xa5: {  	v34 =	vld [tilespmem:s16+$0x8810]  }
0xa6: {  	v35 =	vld [tilespmem:s16+$0x8400]  }
0xa7: {  	v36 =	vld [tilespmem:s16+$0x8070]  }
0xa8: {  	v14 =	vor.u32 v14, v26;
	v26 =	vld [tilespmem:s16+$0x8470]  }
0xa9: {  	v22 =	vor.u32 v22, v23;
	v23 =	vor.u32 v25, v24;
	v2 =	vor.u32 v2, v21;
	v21 =	vld [tilespmem:s16+$0x8460]  }
0xaa: {  	v1 =	vor.u32 v1, v16;
	v2 =	vor.u32 v4, v2;
	v4 =	vor.u32 v19, v7;
	v7 =	vld [tilespmem:s16+$0x8450]  }
0xab: {  	v3 =	vor.u32 v3, v13;
	v11 =	vshll.u32 v0, v11;
	v1 =	vor.u32 v5, v1;
	v5 =	vld [tilespmem:s16+$0x8440]  }
0xac: {  	v3 =	vor.u32 v9, v3;
	v2 =	vor.u32 v8, v2;
	v1 =	vor.u32 v6, v1;
	v13 =	vld [tilespmem:s16+$0x8430]  }
0xad: {  	v15 =	vshll.u32 v0, v15;
	v11 =	vor.u32 v11, v4;
	v8 =	vshll.u32 v0, v20;
	v9 =	vld [tilespmem:s16+$0x8000]  }
0xae: {  	v15 =	vor.u32 v15, v14;
	v24 =	vld [tilespmem:s16+$0x8030];
	v1 =	vor.u32 v8, v1;
	v8 =	vshll.u32 v0, v18  }
0xaf: {  	v18 =	vld [tilespmem:s16+$0x8060];
	v6 =	vshll.u32 v0, v27;
	v2 =	vor.u32 v8, v2;
	v8 =	vshll.u32 v0, v10  }
0xb0: {  	v10 =	vshll.u32 v0, v12;
	v12 =	vshll.u32 v0, v28;
	v16 =	vor.u32 v6, v17;
	v6 =	vld [tilespmem:s16+$0x8420]  }
0xb1: {  	v10 =	vor.u32 v10, v23;
	v19 =	vor.u32 v8, v22;
	v20 =	vor.u32 v12, v3;
	v8 =	vld [tilespmem:s16+$0x8050]  }
0xb2: {  	v22 =	vld [tilespmem:s16+$0x8040];
	v12 =	vshll.u32 v0, v36;
	v14 =	vshll.u32 v0, v35;
	v23 =	vshll.u32 v0, v5  }
0xb3: {  	v62 =	vld [tilespmem:s16+$0x8870];
	v4 =	vshll.u32 v0, v13;
	v3 =	vshll.u32 v0, v21;
	v9 =	vshll.u32 v0, v9  }
0xb4: {  	v27 =	vld [tilespmem:s16+$0x8010];
	v13 =	vshll.u32 v0, v7;
	v26 =	vshll.u32 v0, v26;
	v21 =	vshll.u32 v0, v31  }
0xb5: {  	v17 =	vld [tilespmem:s16+$0x8410];
	v30 =	vshll.u32 v0, v30;
	v25 =	vor.u32 v10, v12;
	v18 =	vshll.u32 v0, v18  }
0xb6: {  	v10 =	vld [tilespmem:s16+$0x8020];
	v12 =	vshll.u32 v0, v34;
	v5 =	vshll.u32 v0, v6;
	v6 =	vor.u32 v11, v9  }
0xb7: {  	v8 =	vshll.u32 v0, v8;
	v9 =	vld [tilespmem:s16+$0x8860];
	v11 =	vshll.u32 v0, v22;
	v7 =	vor.u32 v14, v6  }
0xb8: {  	v22 =	vld [tilespmem:s16+$0x8C10];
	v6 =	vshll.u32 v0, v33;
	v16 =	vor.u32 v16, v8;
	v8 =	vshll.u32 v0, v32  }
0xb9: {  	v14 =	vld [tilespmem:s16+$0x8C00];
	v19 =	vor.u32 v19, v11;
	v11 =	vor.u32 v20, v18;
	v20 =	vshll.u32 v0, v24  }
0xba: {  	v18 =	vshll.u32 v0, v17;
	v24 =	vshll.u32 v0, v27;
	v63 =	vor.u32 v13, v16;
	v13 =	vld [tilespmem:s16+$0x8C40]  }
0xbb: {  	v17 =	vshll.u32 v0, v29;
	v23 =	vor.u32 v23, v19;
	v15 =	vor.u32 v15, v24;
	v19 =	vld [tilespmem:s16+$0x8C20]  }
0xbc: {  	v24 =	vor.u32 v26, v25;
	v25 =	vshll.u32 v0, v62;
	v16 =	vshll.u32 v0, v10;
	v10 =	vld [tilespmem:s16+$0x8C70]  }
0xbd: {  	s19 =	simm.s32 $0x200;
	s17 =	simm.s32 $0x80;
	v26 =	vor.u32 v18, v15;
	v18 =	vld [tilespmem:s16+$0x8C30];
	v15 =	vor.u32 v30, v63;
	v9 =	vshll.u32 v0, v9  }
.LBB2_6:
0xbe: {  	s18 =	smov.u32 s19  }
0xbf: {  	s20 =	sand.u32 $0x3000, s19;
	s21 =	sand.u32 $0x380, s17;
	v12 =	vor.u32 v12, v26;
	v21 =	vor.u32 v21, v23;
	v23 =	vld [tilespmem:s16+$0x8C50];
	v24 =	vor.u32 v25, v24;
	s18 =	sadd.s32 $0x200, s19  }
0xc0: {  	p0 =	sne.s32 s19, $0x3E00;
	v14 =	vshll.u32 v0, v14;
	v1 =	vor.u32 v1, v16;
	v2 =	vor.u32 v2, v20;
	v16 =	vld [tilespmem:s16+$0x8C60];
	s16 =	sor.u32 s21, s20  }
0xc1: {  	v2 =	vor.u32 v4, v2;
	v4 =	vshll.u32 v0, v13;
	v20 =	vshll.u32 v0, v22;
	v25 =	vld [tilespmem:s16+$0x8800]  }
0xc2: {  	v7 =	vor.u32 v17, v7;
	v1 =	vor.u32 v5, v1;
	v5 =	vshll.u32 v0, v10;
	v22 =	vld [tilespmem:s16+$0x8850]  }
0xc3: {  	v3 =	vor.u32 v3, v11;
	v2 =	vor.u32 v8, v2;
	v13 =	vshll.u32 v0, v19;
	v10 =	vld [tilespmem:s16+$0x8840]  }
0xc4: {  	v1 =	vor.u32 v6, v1;
	v6 =	vshll.u32 v0, v18;
	v11 =	vshll.u32 v0, v23;
	v8 =	vld [tilespmem:s16+$0x8830]  }
0xc5: {  	v1 =	vor.u32 v13, v1;
	v11 =	vor.u32 v11, v15;
	v17 =	vld [tilespmem:s16+$0x8820];
	v13 =	vshll.u32 v0, v16  }
0xc6: {  	v3 =	vor.u32 v9, v3;
	v5 =	vor.u32 v5, v24;
	v2 =	vor.u32 v6, v2;
	v15 =	vld [tilespmem:s16+$0x8810]  }
0xc7: {  	v7 =	vor.u32 v14, v7;
	v9 =	vor.u32 v4, v21;
	v18 =	vor.u32 v20, v12;
	v6 =	vld [tilespmem:s16+$0x8400]  }
0xc8: {  	v19 =	vor.u32 v13, v3;
	v4 =	vld [tilespmem:s16+$0x8070]  }
0xc9: {  	v12 =	vld [tilespmem:s16+$0x8470]  }
0xca: {  	v3 =	vld [tilespmem:s16+$0x8460]  }
0xcb: {  	v13 =	vld [tilespmem:s16+$0x8450]  }
0xcc: {  	v14 =	vld [tilespmem:s16+$0x8440]  }
0xcd: {  	v16 =	vshll.u32 v0, v4;
	v4 =	vld [tilespmem:s16+$0x8430]  }
0xce: {  	v20 =	vld [tilespmem:s16+$0x8420]  }
0xcf: {  	v23 =	vld [tilespmem:s16+$0x8410]  }
0xd0: {  	v21 =	vld [tilespmem:s16+$0x8000]  }
0xd1: {  	v6 =	vshll.u32 v0, v6;
	v24 =	vld [tilespmem:s16+$0x8060]  }
0xd2: {  	v27 =	vshll.u32 v0, v14;
	v26 =	vld [tilespmem:s16+$0x8050]  }
0xd3: {  	v14 =	vld [tilespmem:s16+$0x8040]  }
0xd4: {  	v29 =	vor.u32 v5, v16;
	v3 =	vshll.u32 v0, v3;
	v4 =	vshll.u32 v0, v4;
	v28 =	vld [tilespmem:s16+$0x8030]  }
0xd5: {  	v30 =	vshll.u32 v0, v12;
	v13 =	vshll.u32 v0, v13;
	v16 =	vshll.u32 v0, v21;
	v21 =	vld [tilespmem:s16+$0x8020]  }
0xd6: {  	v5 =	vshll.u32 v0, v20;
	v31 =	vld [tilespmem:s16+$0x8010];
	v24 =	vshll.u32 v0, v24;
	v7 =	vor.u32 v7, v16  }
0xd7: {  	v12 =	vshll.u32 v0, v15;
	v16 =	vshll.u32 v0, v26;
	v15 =	vld [tilespmem:s16+$0x8860];
	v7 =	vor.u32 v6, v7  }
0xd8: {  	v6 =	vshll.u32 v0, v17;
	v20 =	vshll.u32 v0, v14;
	v26 =	vld [tilespmem:s16+$0x8870];
	v11 =	vor.u32 v11, v16  }
0xd9: {  	v8 =	vshll.u32 v0, v8;
	v14 =	vld [tilespmem:s16+$0x8C00];
	v9 =	vor.u32 v9, v20;
	v32 =	vor.u32 v13, v11  }
.Ltmp2:
0xda: {  	v11 =	vor.u32 v19, v24;
	v16 =	vshll.u32 v0, v21;
	v21 =	vshll.u32 v0, v10;
	v13 =	vld [tilespmem:s16+$0x8C40];
	(pc) =	sbr.rel @p0 .LBB2_6-.Ltmp2, $4  }
0xdb: {  	v33 =	vshll.u32 v0, v22;
	v20 =	vshll.u32 v0, v28;
	v28 =	vshll.u32 v0, v23;
	v10 =	vld [tilespmem:s16+$0x8C70]  }
0xdc: {  	v17 =	vshll.u32 v0, v25;
	v23 =	vor.u32 v27, v9;
	v19 =	vshll.u32 v0, v31;
	v22 =	vld [tilespmem:s16+$0x8C10]  }
0xdd: {  	v24 =	vor.u32 v30, v29;
	v9 =	vshll.u32 v0, v15;
	v15 =	vor.u32 v18, v19;
	v19 =	vld [tilespmem:s16+$0x8C20]  }
0xde: {  	s17 =	sadd.s32 $0x80, s17;
	s19 =	smov.u32 s18;
	v25 =	vshll.u32 v0, v26;
	v26 =	vor.u32 v28, v15;
	v15 =	vor.u32 v33, v32;
	v18 =	vld [tilespmem:s16+$0x8C30]  }
0xdf: {  	v12 =	vor.u32 v12, v26;
	v21 =	vor.u32 v21, v23  }
0xe0: {  	v52 =	vor.u32 v25, v24;
	v14 =	vshll.u32 v0, v14;
	v2 =	vor.u32 v2, v20  }
0xe1: {  	v1 =	vor.u32 v1, v16;
	v55 =	vshll.u32 v0, v13;
	v7 =	vor.u32 v17, v7  }
0xe2: {  	v53 =	vld [tilespmem:s16+$0x8C50];
	v3 =	vor.u32 v3, v11;
	v2 =	vor.u32 v4, v2;
	v1 =	vor.u32 v5, v1  }
0xe3: {  	v56 =	vld [tilespmem:s16+$0x8C60];
	v58 =	vor.u32 v14, v7;
	v54 =	vshll.u32 v0, v22;
	v2 =	vor.u32 v8, v2  }
0xe4: {  	v1 =	vor.u32 v6, v1;
	v57 =	vshll.u32 v0, v19;
	v59 =	vor.u32 v54, v12  }
0xe5: {  	v60 =	vshll.u32 v0, v18;
	v1 =	vor.u32 v57, v1;
	v6 =	vor.u32 v58, v59  }
0xe6: {  	v4 =	vor.u32 v55, v21;
	v2 =	vor.u32 v60, v2;
	v1 =	vor.u32 v1, v6  }
0xe7: {  	v3 =	vor.u32 v9, v3;
	v61 =	vshll.u32 v0, v53;
	v1 =	vor.u32 v2, v1  }
0xe8: {  	v62 =	vor.u32 v61, v15;
	v2 =	vshll.u32 v0, v56;
	v1 =	vor.u32 v4, v1  }
0xe9: {  	v63 =	vshll.u32 v0, v10;
	v2 =	vor.u32 v2, v3;
	v1 =	vor.u32 v62, v1  }
0xea: {  	s15 =	sadd.s32 $0x1, s15;
	v3 =	vor.u32 v63, v52;
	v1 =	vor.u32 v2, v1  }
0xeb: {  	p0 =	sne.s32 s15, s7;
	v1 =	vor.u32 v3, v1  }
.Ltmp3:
0xec: {  	[tilespmem:$0xC000] =	vst v1;
	(pc) =	sbr.rel @p0 .LBB2_1-.Ltmp3, $4  }
0xed: {  	[hbm4b:s6+s2] =	stream.linear.scatter [tilespmem:s13], [sflag:$0x4], $0x80, $0x38;
	[tilespmem:$0xC080] =	vst v63  }
0xee: {  	_ =	swait.ge [sflag:s14], $0x80  }
0xef: {  	[sflag:s14] =	ssyncset.done $0x0  }
0xf0: {  	[sflag:s14] =	ssyncadd.s32 $0xFFFFFF80  }
0xf1: {  	_ =	sfence.sel $0x180000  }
0xf2: {  	[bflag:$0x0] =	sbarrier.arrive $0xFFFF  }
0xf3: {  	p0 =	sne.s32 s1, $0x0;
	_ =	strace $0x90000047  }
0xf4: {  	s0 =	sadd.s32 @!p0 $0x100000, s0;
	[bflag:$0x2] =	sbarrier.arrive $0xFFFF  }
0xf5: {  	[sflag:s0] =	ssyncadd.tile.s32 @!p0 $0x1;
	_ =	shalt  }
.Lfunc_end2:
_tile_overlayer_lowered:
.L_overlay_start_2:
0xf6: {  	(tag) =	ssettag $0x2  }
0xf7: {  	s0 =	rddreg [dreg:$0x0];
	s2 =	stileid.u32  }
0xf8: {  	s1 =	rddreg [dreg:$0x1];
	p0 =	sne.s32 s2, $0x0  }
0xf9: {  	s3 =	rddreg [dreg:$0x2];
	[bflag:$0x3] =	sbarrier.arrive $0xFFFF;
	s2 =	simm.s32 @!p0 $0x1C04  }
0xfa: {  	[timem:s3], [sflag:s2] =	dma.local @!p0 [hbm:s0], s1  }
0xfb: {  	s0 =	simm.s32 @!p0 $0x4  }
0xfc: {  	_ =	swait.ge @!p0 [sflag:s0], s1  }
0xfd: {  	s1 =	ssub.s32 @!p0 $0x0, s1;
	[sflag:s0] =	ssyncset.done @!p0 $0x0  }
0xfe: {  	[sflag:s0] =	ssyncadd.s32 @!p0 s1  }
0xff: {  	[bflag:$0x3] =	sbarrier.arrive $0xFFFF  }
0x100: {  	_ =	shalt  }

</sc_bundles>
